<compile_context>
chip_gen: v7x
topology: tpu7x:2x2x1
jax: 0.10.2.dev20260603
libtpu: 0.0.44.dev20260713+nightly
codegen_flags: <defaults>
</compile_context>

<pallas_src>
import functools

import jax
import jax.numpy as jnp
from jax import lax
from jax.experimental import pallas as pl
from jax.experimental.pallas import tpu as pltpu
from jax.experimental.pallas import tpu_sc as plsc

N = 10000
E = 320000
D = 128
H = 256
NC = 2
NS = 16
NW = NC * NS
SLAB = 640
LAST = N - SLAB * (NS - 1)
EPW = E // NW
CHUNK = 80
NCHUNK = EPW // CHUNK

_MESH = plsc.VectorSubcoreMesh(core_axis_name="c", subcore_axis_name="s")


def _writeback(c, s, acc_sh, out_hbm, buf):
    rbase = s * SLAB

    def wb(j, carry):
        rb = rbase + j * CHUNK
        pltpu.sync_copy(acc_sh.at[pl.ds(rb, CHUNK)], buf)
        pltpu.sync_copy(buf, out_hbm.at[c, pl.ds(rb, CHUNK)])
        return carry

    nsteps = jnp.where(s < NS - 1, SLAB // CHUNK, LAST // CHUNK)
    lax.fori_loop(0, nsteps, wb, 0)


def _deg_body(zeros_hbm, ones_hbm, dst_hbm, out_hbm, dst_v, ones_v, acc_sh,
              sem):
    c = lax.axis_index("c")
    s = lax.axis_index("s")

    @pl.when(s == 0)
    def _():
        pltpu.sync_copy(zeros_hbm, acc_sh)

    pltpu.sync_copy(ones_hbm, ones_v)
    plsc.subcore_barrier()

    ebase = (c * NS + s) * EPW

    def body(i, carry):
        pltpu.sync_copy(dst_hbm.at[pl.ds(ebase + i * CHUNK, CHUNK)], dst_v)
        pltpu.sync_copy(ones_v, acc_sh.at[dst_v], add=True)
        return carry

    lax.fori_loop(0, NCHUNK, body, 0)
    plsc.subcore_barrier()
    _writeback(c, s, acc_sh, out_hbm, ones_v)


_deg_kernel = functools.partial(
    pl.kernel,
    out_type=jax.ShapeDtypeStruct((NC, N, D), jnp.float32),
    mesh=_MESH,
    scratch_types=[
        pltpu.VMEM((CHUNK,), jnp.int32),
        pltpu.VMEM((CHUNK, D), jnp.float32),
        pltpu.VMEM_SHARED((N, D), jnp.float32),
        pltpu.SemaphoreType.DMA,
    ],
)(_deg_body)


def _agg_body(y_hbm, src_hbm, dst_hbm, out_hbm, src_v, dst_v, rows_v, acc_sh,
              sem):
    c = lax.axis_index("c")
    s = lax.axis_index("s")

    @pl.when(s == 0)
    def _():
        pltpu.sync_copy(y_hbm, acc_sh)

    plsc.subcore_barrier()

    ebase = (c * NS + s) * EPW

    def body(i, carry):
        b = ebase + i * CHUNK
        pltpu.sync_copy(src_hbm.at[pl.ds(b, CHUNK)], src_v)
        pltpu.sync_copy(dst_hbm.at[pl.ds(b, CHUNK)], dst_v)
        pltpu.async_copy(y_hbm.at[src_v], rows_v, sem).wait()
        pltpu.sync_copy(rows_v, acc_sh.at[dst_v], add=True)
        return carry

    lax.fori_loop(0, NCHUNK, body, 0)
    plsc.subcore_barrier()
    _writeback(c, s, acc_sh, out_hbm, rows_v)


_agg_kernel = functools.partial(
    pl.kernel,
    out_type=jax.ShapeDtypeStruct((NC, N, D), jnp.float32),
    mesh=_MESH,
    scratch_types=[
        pltpu.VMEM((CHUNK,), jnp.int32),
        pltpu.VMEM((CHUNK,), jnp.int32),
        pltpu.VMEM((CHUNK, D), jnp.float32),
        pltpu.VMEM_SHARED((N, D), jnp.float32),
        pltpu.SemaphoreType.DMA,
    ],
)(_agg_body)


_RB = 1000
_GRID = N // _RB


def _dis_block(degp):
    deg = degp[0][:, 0:1] + degp[1][:, 0:1] + 1.0
    return lax.rsqrt(deg)


def _prescale_body(degp_ref, x_ref, y_ref):
    y_ref[...] = _dis_block(degp_ref) * x_ref[...]


def _mid_body(p_ref, y1_ref, degp_ref, w1_ref, b1_ref, w2_ref, y2_ref):
    dis = _dis_block(degp_ref)
    a1 = dis * (p_ref[0] + p_ref[1] - y1_ref[...])
    h = jnp.maximum(
        jnp.dot(a1, w1_ref[...], preferred_element_type=jnp.float32)
        + b1_ref[...], 0.0)
    g = jnp.dot(h, w2_ref[...], preferred_element_type=jnp.float32)
    y2_ref[...] = dis * g


def _fin_body(q_ref, y2_ref, degp_ref, b2_ref, out_ref):
    dis = _dis_block(degp_ref)
    out_ref[...] = dis * (q_ref[0] + q_ref[1] - y2_ref[...]) + b2_ref[...]


def _rows_spec(width):
    return pl.BlockSpec((_RB, width), lambda i: (i, 0))


def _part_spec(width):
    return pl.BlockSpec((NC, _RB, width), lambda i: (0, i, 0))


def _full_spec(r, ccols):
    return pl.BlockSpec((r, ccols), lambda i: (0, 0))


_prescale = pl.pallas_call(
    _prescale_body,
    grid=(_GRID,),
    in_specs=[_part_spec(D), _rows_spec(D)],
    out_specs=_rows_spec(D),
    out_shape=jax.ShapeDtypeStruct((N, D), jnp.float32),
)

_mid = pl.pallas_call(
    _mid_body,
    grid=(_GRID,),
    in_specs=[_part_spec(D), _rows_spec(D), _part_spec(D),
              _full_spec(D, H), _full_spec(1, H), _full_spec(H, D)],
    out_specs=_rows_spec(D),
    out_shape=jax.ShapeDtypeStruct((N, D), jnp.float32),
)

_fin = pl.pallas_call(
    _fin_body,
    grid=(_GRID,),
    in_specs=[_part_spec(D), _rows_spec(D), _part_spec(D), _full_spec(1, D)],
    out_specs=_rows_spec(D),
    out_shape=jax.ShapeDtypeStruct((N, D), jnp.float32),
)


def kernel(x, edge_index, W1, b1, W2, b2):
    src = edge_index[0].astype(jnp.int32)
    dst = edge_index[1].astype(jnp.int32)
    b1r = b1.reshape(1, H)
    b2r = b2.reshape(1, D)
    zeros = jnp.zeros((N, D), jnp.float32)
    ones = jnp.ones((CHUNK, D), jnp.float32)

    degp = _deg_kernel(zeros, ones, dst)
    y1 = _prescale(degp, x)
    p = _agg_kernel(y1, src, dst)
    y2 = _mid(p, y1, degp, W1, b1r, W2)
    q = _agg_kernel(y2, src, dst)
    return _fin(q, y2, degp, b2r)

# --- scband reference (transcript-rebuilt; emitter-appended) ---
"""Pipeline reference for scband-gnn-23630910062676 (READ-ONLY COPY).

The authoritative reference and input builder live on the scoring server;
editing this copy changes nothing except your own understanding.
"""

import jax, jax.numpy as jnp
import numpy as np

N_NODES = 10000
N_EDGES = 320000
D_IN = 128
D_OUT = 128


def setup_inputs(seed: int = 0) -> dict:
    key = jax.random.key(seed)
    k1, k2, k3, k4, k5, k6 = jax.random.split(key, 6)
    x = jax.random.normal(k1, (N_NODES, D_IN), dtype=jnp.float32)
    edge_index = jax.random.randint(k2, (2, N_EDGES), 0, N_NODES, dtype=jnp.int64)
    # GCN layer 1: input_dim -> 2*out_dim ; layer 2: 2*out_dim -> out_dim
    W1 = jax.random.normal(k3, (D_IN, 2 * D_OUT), dtype=jnp.float32) * (1.0 / np.sqrt(D_IN))
    b1 = jnp.zeros((2 * D_OUT,), dtype=jnp.float32)
    W2 = jax.random.normal(k4, (2 * D_OUT, D_OUT), dtype=jnp.float32) * (1.0 / np.sqrt(2 * D_OUT))
    b2 = jnp.zeros((D_OUT,), dtype=jnp.float32)
    return {"x": x, "edge_index": edge_index, "W1": W1, "b1": b1, "W2": W2, "b2": b2}


def _gcn_conv(x, src, dst, W, b, num_nodes):
    # x' = D^{-1/2} (A + I) D^{-1/2} X W + b  (GCNConv with self-loops)
    h = x @ W
    deg = jax.ops.segment_sum(jnp.ones_like(dst, dtype=h.dtype), dst, num_segments=num_nodes)
    dis = jnp.where(deg > 0, jax.lax.rsqrt(jnp.maximum(deg, 1e-12)), 0.0)
    norm = dis[src] * dis[dst]
    msg = h[src] * norm[:, None]
    out = jax.ops.segment_sum(msg, dst, num_segments=num_nodes)
    return out + b


def reference(x, edge_index, W1, b1, W2, b2):
    num_nodes = x.shape[0]
    loop = jnp.arange(num_nodes, dtype=edge_index.dtype)
    src = jnp.concatenate([edge_index[0], loop])
    dst = jnp.concatenate([edge_index[1], loop])
    h = _gcn_conv(x, src, dst, W1, b1, num_nodes)
    h = jax.nn.relu(h)
    node_emb = _gcn_conv(h, src, dst, W2, b2, num_nodes)
    return node_emb

if __name__ == "__main__":
    import jax
    _d = setup_inputs()
    print(jax.jit(kernel)(*tuple(_d.values())))

</pallas_src>

<mosaic_0001>
#map = affine_map<(d0, d1) -> (0, 0)>
#map1 = affine_map<(d0, d1) -> (0)>
#map2 = affine_map<(d0, d1) -> (0, 0, 0)>
module attributes {stable_mosaic.version = 14 : i64} {
  func.func @_agg_body(%arg0: i32, %arg1: i32, %arg2: memref<10000x128xf32, #tpu.memory_space<hbm>>, %arg3: memref<320000xi32, #tpu.memory_space<hbm>>, %arg4: memref<320000xi32, #tpu.memory_space<hbm>>, %arg5: memref<2x10000x128xf32, #tpu.memory_space<hbm>>, %arg6: memref<80xi32, #tpu.memory_space<vmem>>, %arg7: memref<80xi32, #tpu.memory_space<vmem>>, %arg8: memref<80x128xf32, #tpu.memory_space<vmem>>, %arg9: memref<10000x128xf32, #tpu.memory_space<vmem_shared>>, %arg10: memref<!tpu.dma_semaphore, #tpu.memory_space<semaphore_mem>>) attributes {dimension_semantics = [#tpu.dimension_semantics<core_parallel>, #tpu.dimension_semantics<subcore_parallel>], iteration_bounds = array<i64: 2, 16>, scalar_prefetch = 0 : i64, scratch_operands = 5 : i64, tpu.core_type = #tpu.core_type<sc_vector_subcore>, window_params = [{transform_indices = #map}, {transform_indices = #map1}, {transform_indices = #map1}, {transform_indices = #map2}]} {
    %eq3A = arith.constant 0 : i32
    %eq3A_0 = arith.cmpi eq, %arg1, %eq3A : i32
    %convert_element_type3A = arith.extui %eq3A_0 : i1 to i32
    %cond3A = arith.constant 0 : i32
    %cond3A_1 = arith.cmpi ne, %convert_element_type3A, %cond3A : i32
    scf.if %cond3A_1 {
      "tpu.region"() ({
        %run_scoped3A = tpu.sem_alloc : memref<!tpu.dma_semaphore, #tpu.memory_space<semaphore_mem>>
        tpu.enqueue_dma source(%arg2 : memref<10000x128xf32, #tpu.memory_space<hbm>>) target(%arg9 : memref<10000x128xf32, #tpu.memory_space<vmem_shared>>) target_semaphore(%run_scoped3A : memref<!tpu.dma_semaphore, #tpu.memory_space<semaphore_mem>>)
        tpu.wait_dma2 semaphore(%run_scoped3A : memref<!tpu.dma_semaphore, #tpu.memory_space<semaphore_mem>>) src(%arg2 : memref<10000x128xf32, #tpu.memory_space<hbm>>) dst(%arg9 : memref<10000x128xf32, #tpu.memory_space<vmem_shared>>)
        tpu.yield
      }) : () -> ()
    } else {
    }
    %barrier3A = arith.constant 0 : index
    tpu.barrier barrier_id(%barrier3A)
    %mul3A = arith.constant 16 : i32
    %mul3A_2 = arith.muli %arg0, %mul3A : i32
    %add3A = arith.addi %mul3A_2, %arg1 : i32
    %mul3A_3 = arith.constant 10000 : i32
    %mul3A_4 = arith.muli %add3A, %mul3A_3 : i32
    %scan3A = arith.constant 0 : i32
    %scan3A_5 = arith.constant 0 : i32
    %scan3A_6 = arith.constant 125 : i32
    %scan3A_7 = arith.addi %scan3A_5, %scan3A_6 : i32
    %scan3A_8 = arith.constant 1 : i32
    scf.for %scan3A_24 = %scan3A_5 to %scan3A_7 step %scan3A_8  : i32 {
      %mul3A_25 = arith.constant 80 : i32
      %mul3A_26 = arith.muli %scan3A_24, %mul3A_25 : i32
      %add3A_27 = arith.addi %mul3A_4, %mul3A_26 : i32
      "tpu.region"() ({
        %run_scoped3A = tpu.sem_alloc : memref<!tpu.dma_semaphore, #tpu.memory_space<semaphore_mem>>
        %dma_start3A_32 = tpu.memref_slice %arg3[%add3A_27] : memref<320000xi32, #tpu.memory_space<hbm>> -> memref<80xi32, #tpu.memory_space<hbm>>
        %dma_start3A_33 = tpu.memref_slice %arg3[%add3A_27] : memref<320000xi32, #tpu.memory_space<hbm>> -> memref<80xi32, #tpu.memory_space<hbm>>
        tpu.enqueue_dma source(%dma_start3A_33 : memref<80xi32, #tpu.memory_space<hbm>>) target(%arg6 : memref<80xi32, #tpu.memory_space<vmem>>) target_semaphore(%run_scoped3A : memref<!tpu.dma_semaphore, #tpu.memory_space<semaphore_mem>>)
        %dma_wait3A_34 = tpu.memref_slice %arg3[%add3A_27] : memref<320000xi32, #tpu.memory_space<hbm>> -> memref<80xi32, #tpu.memory_space<hbm>>
        %dma_wait3A_35 = tpu.memref_slice %arg3[%add3A_27] : memref<320000xi32, #tpu.memory_space<hbm>> -> memref<80xi32, #tpu.memory_space<hbm>>
        tpu.wait_dma2 semaphore(%run_scoped3A : memref<!tpu.dma_semaphore, #tpu.memory_space<semaphore_mem>>) src(%dma_wait3A_35 : memref<80xi32, #tpu.memory_space<hbm>>) dst(%arg6 : memref<80xi32, #tpu.memory_space<vmem>>)
        tpu.yield
      }) : () -> ()
      "tpu.region"() ({
        %run_scoped3A = tpu.sem_alloc : memref<!tpu.dma_semaphore, #tpu.memory_space<semaphore_mem>>
        %dma_start3A_32 = tpu.memref_slice %arg4[%add3A_27] : memref<320000xi32, #tpu.memory_space<hbm>> -> memref<80xi32, #tpu.memory_space<hbm>>
        %dma_start3A_33 = tpu.memref_slice %arg4[%add3A_27] : memref<320000xi32, #tpu.memory_space<hbm>> -> memref<80xi32, #tpu.memory_space<hbm>>
        tpu.enqueue_dma source(%dma_start3A_33 : memref<80xi32, #tpu.memory_space<hbm>>) target(%arg7 : memref<80xi32, #tpu.memory_space<vmem>>) target_semaphore(%run_scoped3A : memref<!tpu.dma_semaphore, #tpu.memory_space<semaphore_mem>>)
        %dma_wait3A_34 = tpu.memref_slice %arg4[%add3A_27] : memref<320000xi32, #tpu.memory_space<hbm>> -> memref<80xi32, #tpu.memory_space<hbm>>
        %dma_wait3A_35 = tpu.memref_slice %arg4[%add3A_27] : memref<320000xi32, #tpu.memory_space<hbm>> -> memref<80xi32, #tpu.memory_space<hbm>>
        tpu.wait_dma2 semaphore(%run_scoped3A : memref<!tpu.dma_semaphore, #tpu.memory_space<semaphore_mem>>) src(%dma_wait3A_35 : memref<80xi32, #tpu.memory_space<hbm>>) dst(%arg7 : memref<80xi32, #tpu.memory_space<vmem>>)
        tpu.yield
      }) : () -> ()
      %dma_start3A = arith.constant 0 : i32
      %dma_start3A_28 = arith.constant 0 : i32
      %dma_start3A_29 = tpu.memref_slice %arg2[%dma_start3A, %dma_start3A_28] : memref<10000x128xf32, #tpu.memory_space<hbm>> -> memref<10000x128xf32, #tpu.memory_space<hbm>>
      tpu.enqueue_indirect_dma source(%dma_start3A_29 : memref<10000x128xf32, #tpu.memory_space<hbm>>) target(%arg8 : memref<80x128xf32, #tpu.memory_space<vmem>>) offsets(%arg6 : memref<80xi32, #tpu.memory_space<vmem>>) semaphore(%arg10 : memref<!tpu.dma_semaphore, #tpu.memory_space<semaphore_mem>>)
      %dma_wait3A = arith.constant 0 : i32
      %dma_wait3A_30 = arith.constant 0 : i32
      %dma_wait3A_31 = tpu.memref_slice %arg2[%dma_wait3A, %dma_wait3A_30] : memref<10000x128xf32, #tpu.memory_space<hbm>> -> memref<10000x128xf32, #tpu.memory_space<hbm>>
      tpu.wait_indirect_dma semaphore(%arg10 : memref<!tpu.dma_semaphore, #tpu.memory_space<semaphore_mem>>) src(%dma_wait3A_31 : memref<10000x128xf32, #tpu.memory_space<hbm>>) dst(%arg8 : memref<80x128xf32, #tpu.memory_space<vmem>>)
      "tpu.region"() ({
        %run_scoped3A = tpu.sem_alloc : memref<!tpu.dma_semaphore, #tpu.memory_space<semaphore_mem>>
        %dma_start3A_32 = arith.constant 0 : i32
        %dma_start3A_33 = arith.constant 0 : i32
        %dma_start3A_34 = tpu.memref_slice %arg9[%dma_start3A_32, %dma_start3A_33] : memref<10000x128xf32, #tpu.memory_space<vmem_shared>> -> memref<10000x128xf32, #tpu.memory_space<vmem_shared>>
        tpu.enqueue_indirect_dma source(%arg8 : memref<80x128xf32, #tpu.memory_space<vmem>>) target(%dma_start3A_34 : memref<10000x128xf32, #tpu.memory_space<vmem_shared>>) offsets(%arg7 : memref<80xi32, #tpu.memory_space<vmem>>) semaphore(%run_scoped3A : memref<!tpu.dma_semaphore, #tpu.memory_space<semaphore_mem>>) {add = true}
        %dma_wait3A_35 = arith.constant 0 : i32
        %dma_wait3A_36 = arith.constant 0 : i32
        %dma_wait3A_37 = tpu.memref_slice %arg9[%dma_wait3A_35, %dma_wait3A_36] : memref<10000x128xf32, #tpu.memory_space<vmem_shared>> -> memref<10000x128xf32, #tpu.memory_space<vmem_shared>>
        tpu.wait_indirect_dma semaphore(%run_scoped3A : memref<!tpu.dma_semaphore, #tpu.memory_space<semaphore_mem>>) src(%arg8 : memref<80x128xf32, #tpu.memory_space<vmem>>) dst(%dma_wait3A_37 : memref<10000x128xf32, #tpu.memory_space<vmem_shared>>)
        tpu.yield
      }) : () -> ()
    }
    %scan3A_9 = arith.constant 125 : i32
    %barrier3A_10 = arith.constant 0 : index
    tpu.barrier barrier_id(%barrier3A_10)
    %mul3A_11 = arith.constant 640 : i32
    %mul3A_12 = arith.muli %arg1, %mul3A_11 : i32
    %lt3A = arith.constant 15 : i32
    %lt3A_13 = arith.cmpi slt, %arg1, %lt3A : i32
    %jit3A = arith.constant 8 : i32
    %jit3A_14 = arith.constant 5 : i32
    %select_n3A = arith.select %lt3A_13, %jit3A, %jit3A_14 : i32
    %while3A = arith.constant 0 : i32
    %while3A_15 = arith.constant 0 : i32
    %while3A_16 = arith.subi %select_n3A, %while3A_15 : i32
    %while3A_17 = arith.addi %while3A_15, %while3A_16 : i32
    %while3A_18 = arith.constant 1 : i32
    %while3A_19 = arith.divsi %while3A_16, %while3A_18 : i32
    %while3A_20 = arith.muli %while3A_19, %while3A_18 : i32
    %while3A_21 = arith.addi %while3A_15, %while3A_20 : i32
    %while3A_22 = arith.constant 1 : i32
    scf.for %while3A_24 = %while3A_15 to %while3A_21 step %while3A_22  : i32 {
      %mul3A_25 = arith.constant 80 : i32
      %mul3A_26 = arith.muli %while3A_24, %mul3A_25 : i32
      %add3A_27 = arith.addi %mul3A_12, %mul3A_26 : i32
      "tpu.region"() ({
        %run_scoped3A = tpu.sem_alloc : memref<!tpu.dma_semaphore, #tpu.memory_space<semaphore_mem>>
        %dma_start3A = arith.constant 0 : i32
        %dma_start3A_28 = tpu.memref_slice %arg9[%add3A_27, %dma_start3A] : memref<10000x128xf32, #tpu.memory_space<vmem_shared>> -> memref<80x128xf32, #tpu.memory_space<vmem_shared>>
        %dma_start3A_29 = arith.constant 0 : i32
        %dma_start3A_30 = tpu.memref_slice %arg9[%add3A_27, %dma_start3A_29] : memref<10000x128xf32, #tpu.memory_space<vmem_shared>> -> memref<80x128xf32, #tpu.memory_space<vmem_shared>>
        tpu.enqueue_dma source(%dma_start3A_30 : memref<80x128xf32, #tpu.memory_space<vmem_shared>>) target(%arg8 : memref<80x128xf32, #tpu.memory_space<vmem>>) target_semaphore(%run_scoped3A : memref<!tpu.dma_semaphore, #tpu.memory_space<semaphore_mem>>)
        %dma_wait3A = arith.constant 0 : i32
        %dma_wait3A_31 = tpu.memref_slice %arg9[%add3A_27, %dma_wait3A] : memref<10000x128xf32, #tpu.memory_space<vmem_shared>> -> memref<80x128xf32, #tpu.memory_space<vmem_shared>>
        %dma_wait3A_32 = arith.constant 0 : i32
        %dma_wait3A_33 = tpu.memref_slice %arg9[%add3A_27, %dma_wait3A_32] : memref<10000x128xf32, #tpu.memory_space<vmem_shared>> -> memref<80x128xf32, #tpu.memory_space<vmem_shared>>
        tpu.wait_dma2 semaphore(%run_scoped3A : memref<!tpu.dma_semaphore, #tpu.memory_space<semaphore_mem>>) src(%dma_wait3A_33 : memref<80x128xf32, #tpu.memory_space<vmem_shared>>) dst(%arg8 : memref<80x128xf32, #tpu.memory_space<vmem>>)
        tpu.yield
      }) : () -> ()
      "tpu.region"() ({
        %run_scoped3A = tpu.sem_alloc : memref<!tpu.dma_semaphore, #tpu.memory_space<semaphore_mem>>
        %dma_start3A = arith.constant 0 : i32
        %dma_start3A_28 = tpu.memref_slice %arg5[%arg0, %add3A_27, %dma_start3A] : memref<2x10000x128xf32, #tpu.memory_space<hbm>> -> memref<1x80x128xf32, #tpu.memory_space<hbm>>
        %dma_start3A_29 = tpu.memref_squeeze %dma_start3A_28 : memref<1x80x128xf32, #tpu.memory_space<hbm>> -> memref<80x128xf32, #tpu.memory_space<hbm>>
        %dma_start3A_30 = arith.constant 0 : i32
        %dma_start3A_31 = tpu.memref_slice %arg5[%arg0, %add3A_27, %dma_start3A_30] : memref<2x10000x128xf32, #tpu.memory_space<hbm>> -> memref<1x80x128xf32, #tpu.memory_space<hbm>>
        %dma_start3A_32 = tpu.memref_squeeze %dma_start3A_31 : memref<1x80x128xf32, #tpu.memory_space<hbm>> -> memref<80x128xf32, #tpu.memory_space<hbm>>
        tpu.enqueue_dma source(%arg8 : memref<80x128xf32, #tpu.memory_space<vmem>>) target(%dma_start3A_32 : memref<80x128xf32, #tpu.memory_space<hbm>>) target_semaphore(%run_scoped3A : memref<!tpu.dma_semaphore, #tpu.memory_space<semaphore_mem>>)
        %dma_wait3A = arith.constant 0 : i32
        %dma_wait3A_33 = tpu.memref_slice %arg5[%arg0, %add3A_27, %dma_wait3A] : memref<2x10000x128xf32, #tpu.memory_space<hbm>> -> memref<1x80x128xf32, #tpu.memory_space<hbm>>
        %dma_wait3A_34 = tpu.memref_squeeze %dma_wait3A_33 : memref<1x80x128xf32, #tpu.memory_space<hbm>> -> memref<80x128xf32, #tpu.memory_space<hbm>>
        %dma_wait3A_35 = arith.constant 0 : i32
        %dma_wait3A_36 = tpu.memref_slice %arg5[%arg0, %add3A_27, %dma_wait3A_35] : memref<2x10000x128xf32, #tpu.memory_space<hbm>> -> memref<1x80x128xf32, #tpu.memory_space<hbm>>
        %dma_wait3A_37 = tpu.memref_squeeze %dma_wait3A_36 : memref<1x80x128xf32, #tpu.memory_space<hbm>> -> memref<80x128xf32, #tpu.memory_space<hbm>>
        tpu.wait_dma2 semaphore(%run_scoped3A : memref<!tpu.dma_semaphore, #tpu.memory_space<semaphore_mem>>) src(%arg8 : memref<80x128xf32, #tpu.memory_space<vmem>>) dst(%dma_wait3A_37 : memref<80x128xf32, #tpu.memory_space<hbm>>)
        tpu.yield
      }) : () -> ()
    }
    %while3A_23 = arith.constant 1 : i32
    scf.for %while3A_24 = %while3A_21 to %while3A_17 step %while3A_23  : i32 {
      %mul3A_25 = arith.constant 80 : i32
      %mul3A_26 = arith.muli %while3A_24, %mul3A_25 : i32
      %add3A_27 = arith.addi %mul3A_12, %mul3A_26 : i32
      "tpu.region"() ({
        %run_scoped3A = tpu.sem_alloc : memref<!tpu.dma_semaphore, #tpu.memory_space<semaphore_mem>>
        %dma_start3A = arith.constant 0 : i32
        %dma_start3A_28 = tpu.memref_slice %arg9[%add3A_27, %dma_start3A] : memref<10000x128xf32, #tpu.memory_space<vmem_shared>> -> memref<80x128xf32, #tpu.memory_space<vmem_shared>>
        %dma_start3A_29 = arith.constant 0 : i32
        %dma_start3A_30 = tpu.memref_slice %arg9[%add3A_27, %dma_start3A_29] : memref<10000x128xf32, #tpu.memory_space<vmem_shared>> -> memref<80x128xf32, #tpu.memory_space<vmem_shared>>
        tpu.enqueue_dma source(%dma_start3A_30 : memref<80x128xf32, #tpu.memory_space<vmem_shared>>) target(%arg8 : memref<80x128xf32, #tpu.memory_space<vmem>>) target_semaphore(%run_scoped3A : memref<!tpu.dma_semaphore, #tpu.memory_space<semaphore_mem>>)
        %dma_wait3A = arith.constant 0 : i32
        %dma_wait3A_31 = tpu.memref_slice %arg9[%add3A_27, %dma_wait3A] : memref<10000x128xf32, #tpu.memory_space<vmem_shared>> -> memref<80x128xf32, #tpu.memory_space<vmem_shared>>
        %dma_wait3A_32 = arith.constant 0 : i32
        %dma_wait3A_33 = tpu.memref_slice %arg9[%add3A_27, %dma_wait3A_32] : memref<10000x128xf32, #tpu.memory_space<vmem_shared>> -> memref<80x128xf32, #tpu.memory_space<vmem_shared>>
        tpu.wait_dma2 semaphore(%run_scoped3A : memref<!tpu.dma_semaphore, #tpu.memory_space<semaphore_mem>>) src(%dma_wait3A_33 : memref<80x128xf32, #tpu.memory_space<vmem_shared>>) dst(%arg8 : memref<80x128xf32, #tpu.memory_space<vmem>>)
        tpu.yield
      }) : () -> ()
      "tpu.region"() ({
        %run_scoped3A = tpu.sem_alloc : memref<!tpu.dma_semaphore, #tpu.memory_space<semaphore_mem>>
        %dma_start3A = arith.constant 0 : i32
        %dma_start3A_28 = tpu.memref_slice %arg5[%arg0, %add3A_27, %dma_start3A] : memref<2x10000x128xf32, #tpu.memory_space<hbm>> -> memref<1x80x128xf32, #tpu.memory_space<hbm>>
        %dma_start3A_29 = tpu.memref_squeeze %dma_start3A_28 : memref<1x80x128xf32, #tpu.memory_space<hbm>> -> memref<80x128xf32, #tpu.memory_space<hbm>>
        %dma_start3A_30 = arith.constant 0 : i32
        %dma_start3A_31 = tpu.memref_slice %arg5[%arg0, %add3A_27, %dma_start3A_30] : memref<2x10000x128xf32, #tpu.memory_space<hbm>> -> memref<1x80x128xf32, #tpu.memory_space<hbm>>
        %dma_start3A_32 = tpu.memref_squeeze %dma_start3A_31 : memref<1x80x128xf32, #tpu.memory_space<hbm>> -> memref<80x128xf32, #tpu.memory_space<hbm>>
        tpu.enqueue_dma source(%arg8 : memref<80x128xf32, #tpu.memory_space<vmem>>) target(%dma_start3A_32 : memref<80x128xf32, #tpu.memory_space<hbm>>) target_semaphore(%run_scoped3A : memref<!tpu.dma_semaphore, #tpu.memory_space<semaphore_mem>>)
        %dma_wait3A = arith.constant 0 : i32
        %dma_wait3A_33 = tpu.memref_slice %arg5[%arg0, %add3A_27, %dma_wait3A] : memref<2x10000x128xf32, #tpu.memory_space<hbm>> -> memref<1x80x128xf32, #tpu.memory_space<hbm>>
        %dma_wait3A_34 = tpu.memref_squeeze %dma_wait3A_33 : memref<1x80x128xf32, #tpu.memory_space<hbm>> -> memref<80x128xf32, #tpu.memory_space<hbm>>
        %dma_wait3A_35 = arith.constant 0 : i32
        %dma_wait3A_36 = tpu.memref_slice %arg5[%arg0, %add3A_27, %dma_wait3A_35] : memref<2x10000x128xf32, #tpu.memory_space<hbm>> -> memref<1x80x128xf32, #tpu.memory_space<hbm>>
        %dma_wait3A_37 = tpu.memref_squeeze %dma_wait3A_36 : memref<1x80x128xf32, #tpu.memory_space<hbm>> -> memref<80x128xf32, #tpu.memory_space<hbm>>
        tpu.wait_dma2 semaphore(%run_scoped3A : memref<!tpu.dma_semaphore, #tpu.memory_space<semaphore_mem>>) src(%arg8 : memref<80x128xf32, #tpu.memory_space<vmem>>) dst(%dma_wait3A_37 : memref<80x128xf32, #tpu.memory_space<hbm>>)
        tpu.yield
      }) : () -> ()
    }
    return
  }
}

#map = affine_map<(d0, d1) -> (0, 0)>
#map1 = affine_map<(d0, d1) -> (0)>
#map2 = affine_map<(d0, d1) -> (0, 0, 0)>
module attributes {stable_mosaic.version = 14 : i64} {
  func.func @_agg_body(%arg0: i32, %arg1: i32, %arg2: memref<10000x128xf32, #tpu.memory_space<hbm>>, %arg3: memref<320000xi32, #tpu.memory_space<hbm>>, %arg4: memref<320000xi32, #tpu.memory_space<hbm>>, %arg5: memref<2x10000x128xf32, #tpu.memory_space<hbm>>, %arg6: memref<80xi32, #tpu.memory_space<vmem>>, %arg7: memref<80xi32, #tpu.memory_space<vmem>>, %arg8: memref<80x128xf32, #tpu.memory_space<vmem>>, %arg9: memref<10000x128xf32, #tpu.memory_space<vmem_shared>>, %arg10: memref<!tpu.dma_semaphore, #tpu.memory_space<semaphore_mem>>) attributes {dimension_semantics = [#tpu.dimension_semantics<core_parallel>, #tpu.dimension_semantics<subcore_parallel>], iteration_bounds = array<i64: 2, 16>, scalar_prefetch = 0 : i64, scratch_operands = 5 : i64, tpu.core_type = #tpu.core_type<sc_vector_subcore>, window_params = [{transform_indices = #map}, {transform_indices = #map1}, {transform_indices = #map1}, {transform_indices = #map2}]} {
    %eq3A = arith.constant 0 : i32
    %eq3A_0 = arith.cmpi eq, %arg1, %eq3A : i32
    %convert_element_type3A = arith.extui %eq3A_0 : i1 to i32
    %cond3A = arith.constant 0 : i32
    %cond3A_1 = arith.cmpi ne, %convert_element_type3A, %cond3A : i32
    scf.if %cond3A_1 {
      "tpu.region"() ({
        %run_scoped3A = tpu.sem_alloc : memref<!tpu.dma_semaphore, #tpu.memory_space<semaphore_mem>>
        tpu.enqueue_dma source(%arg2 : memref<10000x128xf32, #tpu.memory_space<hbm>>) target(%arg9 : memref<10000x128xf32, #tpu.memory_space<vmem_shared>>) target_semaphore(%run_scoped3A : memref<!tpu.dma_semaphore, #tpu.memory_space<semaphore_mem>>)
        tpu.wait_dma2 semaphore(%run_scoped3A : memref<!tpu.dma_semaphore, #tpu.memory_space<semaphore_mem>>) src(%arg2 : memref<10000x128xf32, #tpu.memory_space<hbm>>) dst(%arg9 : memref<10000x128xf32, #tpu.memory_space<vmem_shared>>)
        tpu.yield
      }) : () -> ()
    } else {
    }
    %barrier3A = arith.constant 0 : index
    tpu.barrier barrier_id(%barrier3A)
    %mul3A = arith.constant 16 : i32
    %mul3A_2 = arith.muli %arg0, %mul3A : i32
    %add3A = arith.addi %mul3A_2, %arg1 : i32
    %mul3A_3 = arith.constant 10000 : i32
    %mul3A_4 = arith.muli %add3A, %mul3A_3 : i32
    %scan3A = arith.constant 0 : i32
    %scan3A_5 = arith.constant 0 : i32
    %scan3A_6 = arith.constant 125 : i32
    %scan3A_7 = arith.addi %scan3A_5, %scan3A_6 : i32
    %scan3A_8 = arith.constant 1 : i32
    scf.for %scan3A_24 = %scan3A_5 to %scan3A_7 step %scan3A_8  : i32 {
      %mul3A_25 = arith.constant 80 : i32
      %mul3A_26 = arith.muli %scan3A_24, %mul3A_25 : i32
      %add3A_27 = arith.addi %mul3A_4, %mul3A_26 : i32
      "tpu.region"() ({
        %run_scoped3A = tpu.sem_alloc : memref<!tpu.dma_semaphore, #tpu.memory_space<semaphore_mem>>
        %dma_start3A_32 = tpu.memref_slice %arg3[%add3A_27] : memref<320000xi32, #tpu.memory_space<hbm>> -> memref<80xi32, #tpu.memory_space<hbm>>
        %dma_start3A_33 = tpu.memref_slice %arg3[%add3A_27] : memref<320000xi32, #tpu.memory_space<hbm>> -> memref<80xi32, #tpu.memory_space<hbm>>
        tpu.enqueue_dma source(%dma_start3A_33 : memref<80xi32, #tpu.memory_space<hbm>>) target(%arg6 : memref<80xi32, #tpu.memory_space<vmem>>) target_semaphore(%run_scoped3A : memref<!tpu.dma_semaphore, #tpu.memory_space<semaphore_mem>>)
        %dma_wait3A_34 = tpu.memref_slice %arg3[%add3A_27] : memref<320000xi32, #tpu.memory_space<hbm>> -> memref<80xi32, #tpu.memory_space<hbm>>
        %dma_wait3A_35 = tpu.memref_slice %arg3[%add3A_27] : memref<320000xi32, #tpu.memory_space<hbm>> -> memref<80xi32, #tpu.memory_space<hbm>>
        tpu.wait_dma2 semaphore(%run_scoped3A : memref<!tpu.dma_semaphore, #tpu.memory_space<semaphore_mem>>) src(%dma_wait3A_35 : memref<80xi32, #tpu.memory_space<hbm>>) dst(%arg6 : memref<80xi32, #tpu.memory_space<vmem>>)
        tpu.yield
      }) : () -> ()
      "tpu.region"() ({
        %run_scoped3A = tpu.sem_alloc : memref<!tpu.dma_semaphore, #tpu.memory_space<semaphore_mem>>
        %dma_start3A_32 = tpu.memref_slice %arg4[%add3A_27] : memref<320000xi32, #tpu.memory_space<hbm>> -> memref<80xi32, #tpu.memory_space<hbm>>
        %dma_start3A_33 = tpu.memref_slice %arg4[%add3A_27] : memref<320000xi32, #tpu.memory_space<hbm>> -> memref<80xi32, #tpu.memory_space<hbm>>
        tpu.enqueue_dma source(%dma_start3A_33 : memref<80xi32, #tpu.memory_space<hbm>>) target(%arg7 : memref<80xi32, #tpu.memory_space<vmem>>) target_semaphore(%run_scoped3A : memref<!tpu.dma_semaphore, #tpu.memory_space<semaphore_mem>>)
        %dma_wait3A_34 = tpu.memref_slice %arg4[%add3A_27] : memref<320000xi32, #tpu.memory_space<hbm>> -> memref<80xi32, #tpu.memory_space<hbm>>
        %dma_wait3A_35 = tpu.memref_slice %arg4[%add3A_27] : memref<320000xi32, #tpu.memory_space<hbm>> -> memref<80xi32, #tpu.memory_space<hbm>>
        tpu.wait_dma2 semaphore(%run_scoped3A : memref<!tpu.dma_semaphore, #tpu.memory_space<semaphore_mem>>) src(%dma_wait3A_35 : memref<80xi32, #tpu.memory_space<hbm>>) dst(%arg7 : memref<80xi32, #tpu.memory_space<vmem>>)
        tpu.yield
      }) : () -> ()
      %dma_start3A = arith.constant 0 : i32
      %dma_start3A_28 = arith.constant 0 : i32
      %dma_start3A_29 = tpu.memref_slice %arg2[%dma_start3A, %dma_start3A_28] : memref<10000x128xf32, #tpu.memory_space<hbm>> -> memref<10000x128xf32, #tpu.memory_space<hbm>>
      tpu.enqueue_indirect_dma source(%dma_start3A_29 : memref<10000x128xf32, #tpu.memory_space<hbm>>) target(%arg8 : memref<80x128xf32, #tpu.memory_space<vmem>>) offsets(%arg6 : memref<80xi32, #tpu.memory_space<vmem>>) semaphore(%arg10 : memref<!tpu.dma_semaphore, #tpu.memory_space<semaphore_mem>>)
      %dma_wait3A = arith.constant 0 : i32
      %dma_wait3A_30 = arith.constant 0 : i32
      %dma_wait3A_31 = tpu.memref_slice %arg2[%dma_wait3A, %dma_wait3A_30] : memref<10000x128xf32, #tpu.memory_space<hbm>> -> memref<10000x128xf32, #tpu.memory_space<hbm>>
      tpu.wait_indirect_dma semaphore(%arg10 : memref<!tpu.dma_semaphore, #tpu.memory_space<semaphore_mem>>) src(%dma_wait3A_31 : memref<10000x128xf32, #tpu.memory_space<hbm>>) dst(%arg8 : memref<80x128xf32, #tpu.memory_space<vmem>>)
      "tpu.region"() ({
        %run_scoped3A = tpu.sem_alloc : memref<!tpu.dma_semaphore, #tpu.memory_space<semaphore_mem>>
        %dma_start3A_32 = arith.constant 0 : i32
        %dma_start3A_33 = arith.constant 0 : i32
        %dma_start3A_34 = tpu.memref_slice %arg9[%dma_start3A_32, %dma_start3A_33] : memref<10000x128xf32, #tpu.memory_space<vmem_shared>> -> memref<10000x128xf32, #tpu.memory_space<vmem_shared>>
        tpu.enqueue_indirect_dma source(%arg8 : memref<80x128xf32, #tpu.memory_space<vmem>>) target(%dma_start3A_34 : memref<10000x128xf32, #tpu.memory_space<vmem_shared>>) offsets(%arg7 : memref<80xi32, #tpu.memory_space<vmem>>) semaphore(%run_scoped3A : memref<!tpu.dma_semaphore, #tpu.memory_space<semaphore_mem>>) {add = true}
        %dma_wait3A_35 = arith.constant 0 : i32
        %dma_wait3A_36 = arith.constant 0 : i32
        %dma_wait3A_37 = tpu.memref_slice %arg9[%dma_wait3A_35, %dma_wait3A_36] : memref<10000x128xf32, #tpu.memory_space<vmem_shared>> -> memref<10000x128xf32, #tpu.memory_space<vmem_shared>>
        tpu.wait_indirect_dma semaphore(%run_scoped3A : memref<!tpu.dma_semaphore, #tpu.memory_space<semaphore_mem>>) src(%arg8 : memref<80x128xf32, #tpu.memory_space<vmem>>) dst(%dma_wait3A_37 : memref<10000x128xf32, #tpu.memory_space<vmem_shared>>)
        tpu.yield
      }) : () -> ()
    }
    %scan3A_9 = arith.constant 125 : i32
    %barrier3A_10 = arith.constant 0 : index
    tpu.barrier barrier_id(%barrier3A_10)
    %mul3A_11 = arith.constant 640 : i32
    %mul3A_12 = arith.muli %arg1, %mul3A_11 : i32
    %lt3A = arith.constant 15 : i32
    %lt3A_13 = arith.cmpi slt, %arg1, %lt3A : i32
    %jit3A = arith.constant 8 : i32
    %jit3A_14 = arith.constant 5 : i32
    %select_n3A = arith.select %lt3A_13, %jit3A, %jit3A_14 : i32
    %while3A = arith.constant 0 : i32
    %while3A_15 = arith.constant 0 : i32
    %while3A_16 = arith.subi %select_n3A, %while3A_15 : i32
    %while3A_17 = arith.addi %while3A_15, %while3A_16 : i32
    %while3A_18 = arith.constant 1 : i32
    %while3A_19 = arith.divsi %while3A_16, %while3A_18 : i32
    %while3A_20 = arith.muli %while3A_19, %while3A_18 : i32
    %while3A_21 = arith.addi %while3A_15, %while3A_20 : i32
    %while3A_22 = arith.constant 1 : i32
    scf.for %while3A_24 = %while3A_15 to %while3A_21 step %while3A_22  : i32 {
      %mul3A_25 = arith.constant 80 : i32
      %mul3A_26 = arith.muli %while3A_24, %mul3A_25 : i32
      %add3A_27 = arith.addi %mul3A_12, %mul3A_26 : i32
      "tpu.region"() ({
        %run_scoped3A = tpu.sem_alloc : memref<!tpu.dma_semaphore, #tpu.memory_space<semaphore_mem>>
        %dma_start3A = arith.constant 0 : i32
        %dma_start3A_28 = tpu.memref_slice %arg9[%add3A_27, %dma_start3A] : memref<10000x128xf32, #tpu.memory_space<vmem_shared>> -> memref<80x128xf32, #tpu.memory_space<vmem_shared>>
        %dma_start3A_29 = arith.constant 0 : i32
        %dma_start3A_30 = tpu.memref_slice %arg9[%add3A_27, %dma_start3A_29] : memref<10000x128xf32, #tpu.memory_space<vmem_shared>> -> memref<80x128xf32, #tpu.memory_space<vmem_shared>>
        tpu.enqueue_dma source(%dma_start3A_30 : memref<80x128xf32, #tpu.memory_space<vmem_shared>>) target(%arg8 : memref<80x128xf32, #tpu.memory_space<vmem>>) target_semaphore(%run_scoped3A : memref<!tpu.dma_semaphore, #tpu.memory_space<semaphore_mem>>)
        %dma_wait3A = arith.constant 0 : i32
        %dma_wait3A_31 = tpu.memref_slice %arg9[%add3A_27, %dma_wait3A] : memref<10000x128xf32, #tpu.memory_space<vmem_shared>> -> memref<80x128xf32, #tpu.memory_space<vmem_shared>>
        %dma_wait3A_32 = arith.constant 0 : i32
        %dma_wait3A_33 = tpu.memref_slice %arg9[%add3A_27, %dma_wait3A_32] : memref<10000x128xf32, #tpu.memory_space<vmem_shared>> -> memref<80x128xf32, #tpu.memory_space<vmem_shared>>
        tpu.wait_dma2 semaphore(%run_scoped3A : memref<!tpu.dma_semaphore, #tpu.memory_space<semaphore_mem>>) src(%dma_wait3A_33 : memref<80x128xf32, #tpu.memory_space<vmem_shared>>) dst(%arg8 : memref<80x128xf32, #tpu.memory_space<vmem>>)
        tpu.yield
      }) : () -> ()
      "tpu.region"() ({
        %run_scoped3A = tpu.sem_alloc : memref<!tpu.dma_semaphore, #tpu.memory_space<semaphore_mem>>
        %dma_start3A = arith.constant 0 : i32
        %dma_start3A_28 = tpu.memref_slice %arg5[%arg0, %add3A_27, %dma_start3A] : memref<2x10000x128xf32, #tpu.memory_space<hbm>> -> memref<1x80x128xf32, #tpu.memory_space<hbm>>
        %dma_start3A_29 = tpu.memref_squeeze %dma_start3A_28 : memref<1x80x128xf32, #tpu.memory_space<hbm>> -> memref<80x128xf32, #tpu.memory_space<hbm>>
        %dma_start3A_30 = arith.constant 0 : i32
        %dma_start3A_31 = tpu.memref_slice %arg5[%arg0, %add3A_27, %dma_start3A_30] : memref<2x10000x128xf32, #tpu.memory_space<hbm>> -> memref<1x80x128xf32, #tpu.memory_space<hbm>>
        %dma_start3A_32 = tpu.memref_squeeze %dma_start3A_31 : memref<1x80x128xf32, #tpu.memory_space<hbm>> -> memref<80x128xf32, #tpu.memory_space<hbm>>
        tpu.enqueue_dma source(%arg8 : memref<80x128xf32, #tpu.memory_space<vmem>>) target(%dma_start3A_32 : memref<80x128xf32, #tpu.memory_space<hbm>>) target_semaphore(%run_scoped3A : memref<!tpu.dma_semaphore, #tpu.memory_space<semaphore_mem>>)
        %dma_wait3A = arith.constant 0 : i32
        %dma_wait3A_33 = tpu.memref_slice %arg5[%arg0, %add3A_27, %dma_wait3A] : memref<2x10000x128xf32, #tpu.memory_space<hbm>> -> memref<1x80x128xf32, #tpu.memory_space<hbm>>
        %dma_wait3A_34 = tpu.memref_squeeze %dma_wait3A_33 : memref<1x80x128xf32, #tpu.memory_space<hbm>> -> memref<80x128xf32, #tpu.memory_space<hbm>>
        %dma_wait3A_35 = arith.constant 0 : i32
        %dma_wait3A_36 = tpu.memref_slice %arg5[%arg0, %add3A_27, %dma_wait3A_35] : memref<2x10000x128xf32, #tpu.memory_space<hbm>> -> memref<1x80x128xf32, #tpu.memory_space<hbm>>
        %dma_wait3A_37 = tpu.memref_squeeze %dma_wait3A_36 : memref<1x80x128xf32, #tpu.memory_space<hbm>> -> memref<80x128xf32, #tpu.memory_space<hbm>>
        tpu.wait_dma2 semaphore(%run_scoped3A : memref<!tpu.dma_semaphore, #tpu.memory_space<semaphore_mem>>) src(%arg8 : memref<80x128xf32, #tpu.memory_space<vmem>>) dst(%dma_wait3A_37 : memref<80x128xf32, #tpu.memory_space<hbm>>)
        tpu.yield
      }) : () -> ()
    }
    %while3A_23 = arith.constant 1 : i32
    scf.for %while3A_24 = %while3A_21 to %while3A_17 step %while3A_23  : i32 {
      %mul3A_25 = arith.constant 80 : i32
      %mul3A_26 = arith.muli %while3A_24, %mul3A_25 : i32
      %add3A_27 = arith.addi %mul3A_12, %mul3A_26 : i32
      "tpu.region"() ({
        %run_scoped3A = tpu.sem_alloc : memref<!tpu.dma_semaphore, #tpu.memory_space<semaphore_mem>>
        %dma_start3A = arith.constant 0 : i32
        %dma_start3A_28 = tpu.memref_slice %arg9[%add3A_27, %dma_start3A] : memref<10000x128xf32, #tpu.memory_space<vmem_shared>> -> memref<80x128xf32, #tpu.memory_space<vmem_shared>>
        %dma_start3A_29 = arith.constant 0 : i32
        %dma_start3A_30 = tpu.memref_slice %arg9[%add3A_27, %dma_start3A_29] : memref<10000x128xf32, #tpu.memory_space<vmem_shared>> -> memref<80x128xf32, #tpu.memory_space<vmem_shared>>
        tpu.enqueue_dma source(%dma_start3A_30 : memref<80x128xf32, #tpu.memory_space<vmem_shared>>) target(%arg8 : memref<80x128xf32, #tpu.memory_space<vmem>>) target_semaphore(%run_scoped3A : memref<!tpu.dma_semaphore, #tpu.memory_space<semaphore_mem>>)
        %dma_wait3A = arith.constant 0 : i32
        %dma_wait3A_31 = tpu.memref_slice %arg9[%add3A_27, %dma_wait3A] : memref<10000x128xf32, #tpu.memory_space<vmem_shared>> -> memref<80x128xf32, #tpu.memory_space<vmem_shared>>
        %dma_wait3A_32 = arith.constant 0 : i32
        %dma_wait3A_33 = tpu.memref_slice %arg9[%add3A_27, %dma_wait3A_32] : memref<10000x128xf32, #tpu.memory_space<vmem_shared>> -> memref<80x128xf32, #tpu.memory_space<vmem_shared>>
        tpu.wait_dma2 semaphore(%run_scoped3A : memref<!tpu.dma_semaphore, #tpu.memory_space<semaphore_mem>>) src(%dma_wait3A_33 : memref<80x128xf32, #tpu.memory_space<vmem_shared>>) dst(%arg8 : memref<80x128xf32, #tpu.memory_space<vmem>>)
        tpu.yield
      }) : () -> ()
      "tpu.region"() ({
        %run_scoped3A = tpu.sem_alloc : memref<!tpu.dma_semaphore, #tpu.memory_space<semaphore_mem>>
        %dma_start3A = arith.constant 0 : i32
        %dma_start3A_28 = tpu.memref_slice %arg5[%arg0, %add3A_27, %dma_start3A] : memref<2x10000x128xf32, #tpu.memory_space<hbm>> -> memref<1x80x128xf32, #tpu.memory_space<hbm>>
        %dma_start3A_29 = tpu.memref_squeeze %dma_start3A_28 : memref<1x80x128xf32, #tpu.memory_space<hbm>> -> memref<80x128xf32, #tpu.memory_space<hbm>>
        %dma_start3A_30 = arith.constant 0 : i32
        %dma_start3A_31 = tpu.memref_slice %arg5[%arg0, %add3A_27, %dma_start3A_30] : memref<2x10000x128xf32, #tpu.memory_space<hbm>> -> memref<1x80x128xf32, #tpu.memory_space<hbm>>
        %dma_start3A_32 = tpu.memref_squeeze %dma_start3A_31 : memref<1x80x128xf32, #tpu.memory_space<hbm>> -> memref<80x128xf32, #tpu.memory_space<hbm>>
        tpu.enqueue_dma source(%arg8 : memref<80x128xf32, #tpu.memory_space<vmem>>) target(%dma_start3A_32 : memref<80x128xf32, #tpu.memory_space<hbm>>) target_semaphore(%run_scoped3A : memref<!tpu.dma_semaphore, #tpu.memory_space<semaphore_mem>>)
        %dma_wait3A = arith.constant 0 : i32
        %dma_wait3A_33 = tpu.memref_slice %arg5[%arg0, %add3A_27, %dma_wait3A] : memref<2x10000x128xf32, #tpu.memory_space<hbm>> -> memref<1x80x128xf32, #tpu.memory_space<hbm>>
        %dma_wait3A_34 = tpu.memref_squeeze %dma_wait3A_33 : memref<1x80x128xf32, #tpu.memory_space<hbm>> -> memref<80x128xf32, #tpu.memory_space<hbm>>
        %dma_wait3A_35 = arith.constant 0 : i32
        %dma_wait3A_36 = tpu.memref_slice %arg5[%arg0, %add3A_27, %dma_wait3A_35] : memref<2x10000x128xf32, #tpu.memory_space<hbm>> -> memref<1x80x128xf32, #tpu.memory_space<hbm>>
        %dma_wait3A_37 = tpu.memref_squeeze %dma_wait3A_36 : memref<1x80x128xf32, #tpu.memory_space<hbm>> -> memref<80x128xf32, #tpu.memory_space<hbm>>
        tpu.wait_dma2 semaphore(%run_scoped3A : memref<!tpu.dma_semaphore, #tpu.memory_space<semaphore_mem>>) src(%arg8 : memref<80x128xf32, #tpu.memory_space<vmem>>) dst(%dma_wait3A_37 : memref<80x128xf32, #tpu.memory_space<hbm>>)
        tpu.yield
      }) : () -> ()
    }
    return
  }
}

#map = affine_map<(d0, d1) -> (0, 0)>
#map1 = affine_map<(d0, d1) -> (0)>
#map2 = affine_map<(d0, d1) -> (0, 0, 0)>
module attributes {stable_mosaic.version = 14 : i64} {
  func.func @_deg_body(%arg0: i32, %arg1: i32, %arg2: memref<10000x128xf32, #tpu.memory_space<hbm>>, %arg3: memref<80x128xf32, #tpu.memory_space<hbm>>, %arg4: memref<320000xi32, #tpu.memory_space<hbm>>, %arg5: memref<2x10000x128xf32, #tpu.memory_space<hbm>>, %arg6: memref<80xi32, #tpu.memory_space<vmem>>, %arg7: memref<80x128xf32, #tpu.memory_space<vmem>>, %arg8: memref<10000x128xf32, #tpu.memory_space<vmem_shared>>, %arg9: memref<!tpu.dma_semaphore, #tpu.memory_space<semaphore_mem>>) attributes {dimension_semantics = [#tpu.dimension_semantics<core_parallel>, #tpu.dimension_semantics<subcore_parallel>], iteration_bounds = array<i64: 2, 16>, scalar_prefetch = 0 : i64, scratch_operands = 4 : i64, tpu.core_type = #tpu.core_type<sc_vector_subcore>, window_params = [{transform_indices = #map}, {transform_indices = #map}, {transform_indices = #map1}, {transform_indices = #map2}]} {
    %eq3A = arith.constant 0 : i32
    %eq3A_0 = arith.cmpi eq, %arg1, %eq3A : i32
    %convert_element_type3A = arith.extui %eq3A_0 : i1 to i32
    %cond3A = arith.constant 0 : i32
    %cond3A_1 = arith.cmpi ne, %convert_element_type3A, %cond3A : i32
    scf.if %cond3A_1 {
      "tpu.region"() ({
        %run_scoped3A = tpu.sem_alloc : memref<!tpu.dma_semaphore, #tpu.memory_space<semaphore_mem>>
        tpu.enqueue_dma source(%arg2 : memref<10000x128xf32, #tpu.memory_space<hbm>>) target(%arg8 : memref<10000x128xf32, #tpu.memory_space<vmem_shared>>) target_semaphore(%run_scoped3A : memref<!tpu.dma_semaphore, #tpu.memory_space<semaphore_mem>>)
        tpu.wait_dma2 semaphore(%run_scoped3A : memref<!tpu.dma_semaphore, #tpu.memory_space<semaphore_mem>>) src(%arg2 : memref<10000x128xf32, #tpu.memory_space<hbm>>) dst(%arg8 : memref<10000x128xf32, #tpu.memory_space<vmem_shared>>)
        tpu.yield
      }) : () -> ()
    } else {
    }
    "tpu.region"() ({
      %run_scoped3A = tpu.sem_alloc : memref<!tpu.dma_semaphore, #tpu.memory_space<semaphore_mem>>
      tpu.enqueue_dma source(%arg3 : memref<80x128xf32, #tpu.memory_space<hbm>>) target(%arg7 : memref<80x128xf32, #tpu.memory_space<vmem>>) target_semaphore(%run_scoped3A : memref<!tpu.dma_semaphore, #tpu.memory_space<semaphore_mem>>)
      tpu.wait_dma2 semaphore(%run_scoped3A : memref<!tpu.dma_semaphore, #tpu.memory_space<semaphore_mem>>) src(%arg3 : memref<80x128xf32, #tpu.memory_space<hbm>>) dst(%arg7 : memref<80x128xf32, #tpu.memory_space<vmem>>)
      tpu.yield
    }) : () -> ()
    %barrier3A = arith.constant 0 : index
    tpu.barrier barrier_id(%barrier3A)
    %mul3A = arith.constant 16 : i32
    %mul3A_2 = arith.muli %arg0, %mul3A : i32
    %add3A = arith.addi %mul3A_2, %arg1 : i32
    %mul3A_3 = arith.constant 10000 : i32
    %mul3A_4 = arith.muli %add3A, %mul3A_3 : i32
    %scan3A = arith.constant 0 : i32
    %scan3A_5 = arith.constant 0 : i32
    %scan3A_6 = arith.constant 125 : i32
    %scan3A_7 = arith.addi %scan3A_5, %scan3A_6 : i32
    %scan3A_8 = arith.constant 1 : i32
    scf.for %scan3A_24 = %scan3A_5 to %scan3A_7 step %scan3A_8  : i32 {
      %mul3A_25 = arith.constant 80 : i32
      %mul3A_26 = arith.muli %scan3A_24, %mul3A_25 : i32
      %add3A_27 = arith.addi %mul3A_4, %mul3A_26 : i32
      "tpu.region"() ({
        %run_scoped3A = tpu.sem_alloc : memref<!tpu.dma_semaphore, #tpu.memory_space<semaphore_mem>>
        %dma_start3A = tpu.memref_slice %arg4[%add3A_27] : memref<320000xi32, #tpu.memory_space<hbm>> -> memref<80xi32, #tpu.memory_space<hbm>>
        %dma_start3A_28 = tpu.memref_slice %arg4[%add3A_27] : memref<320000xi32, #tpu.memory_space<hbm>> -> memref<80xi32, #tpu.memory_space<hbm>>
        tpu.enqueue_dma source(%dma_start3A_28 : memref<80xi32, #tpu.memory_space<hbm>>) target(%arg6 : memref<80xi32, #tpu.memory_space<vmem>>) target_semaphore(%run_scoped3A : memref<!tpu.dma_semaphore, #tpu.memory_space<semaphore_mem>>)
        %dma_wait3A = tpu.memref_slice %arg4[%add3A_27] : memref<320000xi32, #tpu.memory_space<hbm>> -> memref<80xi32, #tpu.memory_space<hbm>>
        %dma_wait3A_29 = tpu.memref_slice %arg4[%add3A_27] : memref<320000xi32, #tpu.memory_space<hbm>> -> memref<80xi32, #tpu.memory_space<hbm>>
        tpu.wait_dma2 semaphore(%run_scoped3A : memref<!tpu.dma_semaphore, #tpu.memory_space<semaphore_mem>>) src(%dma_wait3A_29 : memref<80xi32, #tpu.memory_space<hbm>>) dst(%arg6 : memref<80xi32, #tpu.memory_space<vmem>>)
        tpu.yield
      }) : () -> ()
      "tpu.region"() ({
        %run_scoped3A = tpu.sem_alloc : memref<!tpu.dma_semaphore, #tpu.memory_space<semaphore_mem>>
        %dma_start3A = arith.constant 0 : i32
        %dma_start3A_28 = arith.constant 0 : i32
        %dma_start3A_29 = tpu.memref_slice %arg8[%dma_start3A, %dma_start3A_28] : memref<10000x128xf32, #tpu.memory_space<vmem_shared>> -> memref<10000x128xf32, #tpu.memory_space<vmem_shared>>
        tpu.enqueue_indirect_dma source(%arg7 : memref<80x128xf32, #tpu.memory_space<vmem>>) target(%dma_start3A_29 : memref<10000x128xf32, #tpu.memory_space<vmem_shared>>) offsets(%arg6 : memref<80xi32, #tpu.memory_space<vmem>>) semaphore(%run_scoped3A : memref<!tpu.dma_semaphore, #tpu.memory_space<semaphore_mem>>) {add = true}
        %dma_wait3A = arith.constant 0 : i32
        %dma_wait3A_30 = arith.constant 0 : i32
        %dma_wait3A_31 = tpu.memref_slice %arg8[%dma_wait3A, %dma_wait3A_30] : memref<10000x128xf32, #tpu.memory_space<vmem_shared>> -> memref<10000x128xf32, #tpu.memory_space<vmem_shared>>
        tpu.wait_indirect_dma semaphore(%run_scoped3A : memref<!tpu.dma_semaphore, #tpu.memory_space<semaphore_mem>>) src(%arg7 : memref<80x128xf32, #tpu.memory_space<vmem>>) dst(%dma_wait3A_31 : memref<10000x128xf32, #tpu.memory_space<vmem_shared>>)
        tpu.yield
      }) : () -> ()
    }
    %scan3A_9 = arith.constant 125 : i32
    %barrier3A_10 = arith.constant 0 : index
    tpu.barrier barrier_id(%barrier3A_10)
    %mul3A_11 = arith.constant 640 : i32
    %mul3A_12 = arith.muli %arg1, %mul3A_11 : i32
    %lt3A = arith.constant 15 : i32
    %lt3A_13 = arith.cmpi slt, %arg1, %lt3A : i32
    %jit3A = arith.constant 8 : i32
    %jit3A_14 = arith.constant 5 : i32
    %select_n3A = arith.select %lt3A_13, %jit3A, %jit3A_14 : i32
    %while3A = arith.constant 0 : i32
    %while3A_15 = arith.constant 0 : i32
    %while3A_16 = arith.subi %select_n3A, %while3A_15 : i32
    %while3A_17 = arith.addi %while3A_15, %while3A_16 : i32
    %while3A_18 = arith.constant 1 : i32
    %while3A_19 = arith.divsi %while3A_16, %while3A_18 : i32
    %while3A_20 = arith.muli %while3A_19, %while3A_18 : i32
    %while3A_21 = arith.addi %while3A_15, %while3A_20 : i32
    %while3A_22 = arith.constant 1 : i32
    scf.for %while3A_24 = %while3A_15 to %while3A_21 step %while3A_22  : i32 {
      %mul3A_25 = arith.constant 80 : i32
      %mul3A_26 = arith.muli %while3A_24, %mul3A_25 : i32
      %add3A_27 = arith.addi %mul3A_12, %mul3A_26 : i32
      "tpu.region"() ({
        %run_scoped3A = tpu.sem_alloc : memref<!tpu.dma_semaphore, #tpu.memory_space<semaphore_mem>>
        %dma_start3A = arith.constant 0 : i32
        %dma_start3A_28 = tpu.memref_slice %arg8[%add3A_27, %dma_start3A] : memref<10000x128xf32, #tpu.memory_space<vmem_shared>> -> memref<80x128xf32, #tpu.memory_space<vmem_shared>>
        %dma_start3A_29 = arith.constant 0 : i32
        %dma_start3A_30 = tpu.memref_slice %arg8[%add3A_27, %dma_start3A_29] : memref<10000x128xf32, #tpu.memory_space<vmem_shared>> -> memref<80x128xf32, #tpu.memory_space<vmem_shared>>
        tpu.enqueue_dma source(%dma_start3A_30 : memref<80x128xf32, #tpu.memory_space<vmem_shared>>) target(%arg7 : memref<80x128xf32, #tpu.memory_space<vmem>>) target_semaphore(%run_scoped3A : memref<!tpu.dma_semaphore, #tpu.memory_space<semaphore_mem>>)
        %dma_wait3A = arith.constant 0 : i32
        %dma_wait3A_31 = tpu.memref_slice %arg8[%add3A_27, %dma_wait3A] : memref<10000x128xf32, #tpu.memory_space<vmem_shared>> -> memref<80x128xf32, #tpu.memory_space<vmem_shared>>
        %dma_wait3A_32 = arith.constant 0 : i32
        %dma_wait3A_33 = tpu.memref_slice %arg8[%add3A_27, %dma_wait3A_32] : memref<10000x128xf32, #tpu.memory_space<vmem_shared>> -> memref<80x128xf32, #tpu.memory_space<vmem_shared>>
        tpu.wait_dma2 semaphore(%run_scoped3A : memref<!tpu.dma_semaphore, #tpu.memory_space<semaphore_mem>>) src(%dma_wait3A_33 : memref<80x128xf32, #tpu.memory_space<vmem_shared>>) dst(%arg7 : memref<80x128xf32, #tpu.memory_space<vmem>>)
        tpu.yield
      }) : () -> ()
      "tpu.region"() ({
        %run_scoped3A = tpu.sem_alloc : memref<!tpu.dma_semaphore, #tpu.memory_space<semaphore_mem>>
        %dma_start3A = arith.constant 0 : i32
        %dma_start3A_28 = tpu.memref_slice %arg5[%arg0, %add3A_27, %dma_start3A] : memref<2x10000x128xf32, #tpu.memory_space<hbm>> -> memref<1x80x128xf32, #tpu.memory_space<hbm>>
        %dma_start3A_29 = tpu.memref_squeeze %dma_start3A_28 : memref<1x80x128xf32, #tpu.memory_space<hbm>> -> memref<80x128xf32, #tpu.memory_space<hbm>>
        %dma_start3A_30 = arith.constant 0 : i32
        %dma_start3A_31 = tpu.memref_slice %arg5[%arg0, %add3A_27, %dma_start3A_30] : memref<2x10000x128xf32, #tpu.memory_space<hbm>> -> memref<1x80x128xf32, #tpu.memory_space<hbm>>
        %dma_start3A_32 = tpu.memref_squeeze %dma_start3A_31 : memref<1x80x128xf32, #tpu.memory_space<hbm>> -> memref<80x128xf32, #tpu.memory_space<hbm>>
        tpu.enqueue_dma source(%arg7 : memref<80x128xf32, #tpu.memory_space<vmem>>) target(%dma_start3A_32 : memref<80x128xf32, #tpu.memory_space<hbm>>) target_semaphore(%run_scoped3A : memref<!tpu.dma_semaphore, #tpu.memory_space<semaphore_mem>>)
        %dma_wait3A = arith.constant 0 : i32
        %dma_wait3A_33 = tpu.memref_slice %arg5[%arg0, %add3A_27, %dma_wait3A] : memref<2x10000x128xf32, #tpu.memory_space<hbm>> -> memref<1x80x128xf32, #tpu.memory_space<hbm>>
        %dma_wait3A_34 = tpu.memref_squeeze %dma_wait3A_33 : memref<1x80x128xf32, #tpu.memory_space<hbm>> -> memref<80x128xf32, #tpu.memory_space<hbm>>
        %dma_wait3A_35 = arith.constant 0 : i32
        %dma_wait3A_36 = tpu.memref_slice %arg5[%arg0, %add3A_27, %dma_wait3A_35] : memref<2x10000x128xf32, #tpu.memory_space<hbm>> -> memref<1x80x128xf32, #tpu.memory_space<hbm>>
        %dma_wait3A_37 = tpu.memref_squeeze %dma_wait3A_36 : memref<1x80x128xf32, #tpu.memory_space<hbm>> -> memref<80x128xf32, #tpu.memory_space<hbm>>
        tpu.wait_dma2 semaphore(%run_scoped3A : memref<!tpu.dma_semaphore, #tpu.memory_space<semaphore_mem>>) src(%arg7 : memref<80x128xf32, #tpu.memory_space<vmem>>) dst(%dma_wait3A_37 : memref<80x128xf32, #tpu.memory_space<hbm>>)
        tpu.yield
      }) : () -> ()
    }
    %while3A_23 = arith.constant 1 : i32
    scf.for %while3A_24 = %while3A_21 to %while3A_17 step %while3A_23  : i32 {
      %mul3A_25 = arith.constant 80 : i32
      %mul3A_26 = arith.muli %while3A_24, %mul3A_25 : i32
      %add3A_27 = arith.addi %mul3A_12, %mul3A_26 : i32
      "tpu.region"() ({
        %run_scoped3A = tpu.sem_alloc : memref<!tpu.dma_semaphore, #tpu.memory_space<semaphore_mem>>
        %dma_start3A = arith.constant 0 : i32
        %dma_start3A_28 = tpu.memref_slice %arg8[%add3A_27, %dma_start3A] : memref<10000x128xf32, #tpu.memory_space<vmem_shared>> -> memref<80x128xf32, #tpu.memory_space<vmem_shared>>
        %dma_start3A_29 = arith.constant 0 : i32
        %dma_start3A_30 = tpu.memref_slice %arg8[%add3A_27, %dma_start3A_29] : memref<10000x128xf32, #tpu.memory_space<vmem_shared>> -> memref<80x128xf32, #tpu.memory_space<vmem_shared>>
        tpu.enqueue_dma source(%dma_start3A_30 : memref<80x128xf32, #tpu.memory_space<vmem_shared>>) target(%arg7 : memref<80x128xf32, #tpu.memory_space<vmem>>) target_semaphore(%run_scoped3A : memref<!tpu.dma_semaphore, #tpu.memory_space<semaphore_mem>>)
        %dma_wait3A = arith.constant 0 : i32
        %dma_wait3A_31 = tpu.memref_slice %arg8[%add3A_27, %dma_wait3A] : memref<10000x128xf32, #tpu.memory_space<vmem_shared>> -> memref<80x128xf32, #tpu.memory_space<vmem_shared>>
        %dma_wait3A_32 = arith.constant 0 : i32
        %dma_wait3A_33 = tpu.memref_slice %arg8[%add3A_27, %dma_wait3A_32] : memref<10000x128xf32, #tpu.memory_space<vmem_shared>> -> memref<80x128xf32, #tpu.memory_space<vmem_shared>>
        tpu.wait_dma2 semaphore(%run_scoped3A : memref<!tpu.dma_semaphore, #tpu.memory_space<semaphore_mem>>) src(%dma_wait3A_33 : memref<80x128xf32, #tpu.memory_space<vmem_shared>>) dst(%arg7 : memref<80x128xf32, #tpu.memory_space<vmem>>)
        tpu.yield
      }) : () -> ()
      "tpu.region"() ({
        %run_scoped3A = tpu.sem_alloc : memref<!tpu.dma_semaphore, #tpu.memory_space<semaphore_mem>>
        %dma_start3A = arith.constant 0 : i32
        %dma_start3A_28 = tpu.memref_slice %arg5[%arg0, %add3A_27, %dma_start3A] : memref<2x10000x128xf32, #tpu.memory_space<hbm>> -> memref<1x80x128xf32, #tpu.memory_space<hbm>>
        %dma_start3A_29 = tpu.memref_squeeze %dma_start3A_28 : memref<1x80x128xf32, #tpu.memory_space<hbm>> -> memref<80x128xf32, #tpu.memory_space<hbm>>
        %dma_start3A_30 = arith.constant 0 : i32
        %dma_start3A_31 = tpu.memref_slice %arg5[%arg0, %add3A_27, %dma_start3A_30] : memref<2x10000x128xf32, #tpu.memory_space<hbm>> -> memref<1x80x128xf32, #tpu.memory_space<hbm>>
        %dma_start3A_32 = tpu.memref_squeeze %dma_start3A_31 : memref<1x80x128xf32, #tpu.memory_space<hbm>> -> memref<80x128xf32, #tpu.memory_space<hbm>>
        tpu.enqueue_dma source(%arg7 : memref<80x128xf32, #tpu.memory_space<vmem>>) target(%dma_start3A_32 : memref<80x128xf32, #tpu.memory_space<hbm>>) target_semaphore(%run_scoped3A : memref<!tpu.dma_semaphore, #tpu.memory_space<semaphore_mem>>)
        %dma_wait3A = arith.constant 0 : i32
        %dma_wait3A_33 = tpu.memref_slice %arg5[%arg0, %add3A_27, %dma_wait3A] : memref<2x10000x128xf32, #tpu.memory_space<hbm>> -> memref<1x80x128xf32, #tpu.memory_space<hbm>>
        %dma_wait3A_34 = tpu.memref_squeeze %dma_wait3A_33 : memref<1x80x128xf32, #tpu.memory_space<hbm>> -> memref<80x128xf32, #tpu.memory_space<hbm>>
        %dma_wait3A_35 = arith.constant 0 : i32
        %dma_wait3A_36 = tpu.memref_slice %arg5[%arg0, %add3A_27, %dma_wait3A_35] : memref<2x10000x128xf32, #tpu.memory_space<hbm>> -> memref<1x80x128xf32, #tpu.memory_space<hbm>>
        %dma_wait3A_37 = tpu.memref_squeeze %dma_wait3A_36 : memref<1x80x128xf32, #tpu.memory_space<hbm>> -> memref<80x128xf32, #tpu.memory_space<hbm>>
        tpu.wait_dma2 semaphore(%run_scoped3A : memref<!tpu.dma_semaphore, #tpu.memory_space<semaphore_mem>>) src(%arg7 : memref<80x128xf32, #tpu.memory_space<vmem>>) dst(%dma_wait3A_37 : memref<80x128xf32, #tpu.memory_space<hbm>>)
        tpu.yield
      }) : () -> ()
    }
    return
  }
}

module attributes {stable_mosaic.version = 14 : i64} {
  func.func @_prescale_body(%arg0: i32, %arg1: memref<2x1000x128xf32, #tpu.memory_space<vmem>>, %arg2: memref<1000x128xf32, #tpu.memory_space<vmem>>, %arg3: memref<1000x128xf32, #tpu.memory_space<vmem>>) attributes {dimension_semantics = [#tpu.dimension_semantics<arbitrary>], iteration_bounds = array<i64: 10>, scalar_prefetch = 0 : i64, scratch_operands = 0 : i64, tpu.core_type = #tpu.core_type<tc>, window_params = [{transform_indices = @transform_0, window_bounds = array<i64: 2, 1000, 128>}, {transform_indices = @transform_1, window_bounds = array<i64: 1000, 128>}, {transform_indices = @transform_2, window_bounds = array<i64: 1000, 128>}]} {
    %get3A = arith.constant 0 : index
    %get3A_0 = arith.constant 0 : index
    %get3A_1 = arith.constant 0 : index
    %get3A_2 = vector.load %arg1[%get3A, %get3A_0, %get3A_1] : memref<2x1000x128xf32, #tpu.memory_space<vmem>>, vector<1x1000x128xf32>
    %get3A_3 = vector.shape_cast %get3A_2 : vector<1x1000x128xf32> to vector<1000x128xf32>
    %slice3A = vector.extract_strided_slice %get3A_3 {offsets = [0, 0], sizes = [1000, 1], strides = [1, 1]} : vector<1000x128xf32> to vector<1000x1xf32>
    %get3A_4 = arith.constant 1 : index
    %get3A_5 = arith.constant 0 : index
    %get3A_6 = arith.constant 0 : index
    %get3A_7 = vector.load %arg1[%get3A_4, %get3A_5, %get3A_6] : memref<2x1000x128xf32, #tpu.memory_space<vmem>>, vector<1x1000x128xf32>
    %get3A_8 = vector.shape_cast %get3A_7 : vector<1x1000x128xf32> to vector<1000x128xf32>
    %slice3A_9 = vector.extract_strided_slice %get3A_8 {offsets = [0, 0], sizes = [1000, 1], strides = [1, 1]} : vector<1000x128xf32> to vector<1000x1xf32>
    %add3A = arith.addf %slice3A, %slice3A_9 : vector<1000x1xf32>
    %add3A_10 = arith.constant 1.000000e+00 : f32
    %add3A_11 = vector.broadcast %add3A_10 : f32 to vector<1000x1xf32>
    %add3A_12 = arith.addf %add3A, %add3A_11 : vector<1000x1xf32>
    %rsqrt3A = math.rsqrt %add3A_12 : vector<1000x1xf32>
    %get3A_13 = arith.constant 0 : index
    %get3A_14 = arith.constant 0 : index
    %get3A_15 = vector.load %arg2[%get3A_13, %get3A_14] : memref<1000x128xf32, #tpu.memory_space<vmem>>, vector<1000x128xf32>
    %mul3A = vector.broadcast %rsqrt3A : vector<1000x1xf32> to vector<1000x128xf32>
    %mul3A_16 = arith.mulf %mul3A, %get3A_15 : vector<1000x128xf32>
    %swap3A = arith.constant 0 : index
    %swap3A_17 = arith.constant 0 : index
    %swap3A_18 = vector.load %arg3[%swap3A, %swap3A_17] : memref<1000x128xf32, #tpu.memory_space<vmem>>, vector<1000x128xf32>
    tpu.vector_store %arg3[%swap3A, %swap3A_17], %mul3A_16 {strides = array<i32>} : memref<1000x128xf32, #tpu.memory_space<vmem>>, vector<1000x128xf32>,
    return
  }
  func.func @transform_0(%arg0: i32) -> (i32, i32, i32) {
    %c0_i32 = arith.constant 0 : i32
    %c0_i32_0 = arith.constant 0 : i32
    %c0_i32_1 = arith.constant 0 : i32
    return %c0_i32, %arg0, %c0_i32_0 : i32, i32, i32
  }
  func.func @transform_1(%arg0: i32) -> (i32, i32) {
    %c0_i32 = arith.constant 0 : i32
    %c0_i32_0 = arith.constant 0 : i32
    return %arg0, %c0_i32 : i32, i32
  }
  func.func @transform_2(%arg0: i32) -> (i32, i32) {
    %c0_i32 = arith.constant 0 : i32
    %c0_i32_0 = arith.constant 0 : i32
    return %arg0, %c0_i32 : i32, i32
  }
}

module attributes {stable_mosaic.version = 14 : i64} {
  func.func @_mid_body(%arg0: i32, %arg1: memref<2x1000x128xf32, #tpu.memory_space<vmem>>, %arg2: memref<1000x128xf32, #tpu.memory_space<vmem>>, %arg3: memref<2x1000x128xf32, #tpu.memory_space<vmem>>, %arg4: memref<128x256xf32, #tpu.memory_space<vmem>>, %arg5: memref<1x256xf32, #tpu.memory_space<vmem>>, %arg6: memref<256x128xf32, #tpu.memory_space<vmem>>, %arg7: memref<1000x128xf32, #tpu.memory_space<vmem>>) attributes {dimension_semantics = [#tpu.dimension_semantics<arbitrary>], iteration_bounds = array<i64: 10>, scalar_prefetch = 0 : i64, scratch_operands = 0 : i64, tpu.core_type = #tpu.core_type<tc>, window_params = [{transform_indices = @transform_0, window_bounds = array<i64: 2, 1000, 128>}, {transform_indices = @transform_1, window_bounds = array<i64: 1000, 128>}, {transform_indices = @transform_2, window_bounds = array<i64: 2, 1000, 128>}, {pipeline_mode = #tpu.pipeline_mode<synchronous>, transform_indices = @transform_3, window_bounds = array<i64: 128, 256>}, {pipeline_mode = #tpu.pipeline_mode<synchronous>, transform_indices = @transform_4, window_bounds = array<i64: 1, 256>}, {pipeline_mode = #tpu.pipeline_mode<synchronous>, transform_indices = @transform_5, window_bounds = array<i64: 256, 128>}, {transform_indices = @transform_6, window_bounds = array<i64: 1000, 128>}]} {
    %get3A = arith.constant 0 : index
    %get3A_0 = arith.constant 0 : index
    %get3A_1 = arith.constant 0 : index
    %get3A_2 = vector.load %arg3[%get3A, %get3A_0, %get3A_1] : memref<2x1000x128xf32, #tpu.memory_space<vmem>>, vector<1x1000x128xf32>
    %get3A_3 = vector.shape_cast %get3A_2 : vector<1x1000x128xf32> to vector<1000x128xf32>
    %slice3A = vector.extract_strided_slice %get3A_3 {offsets = [0, 0], sizes = [1000, 1], strides = [1, 1]} : vector<1000x128xf32> to vector<1000x1xf32>
    %get3A_4 = arith.constant 1 : index
    %get3A_5 = arith.constant 0 : index
    %get3A_6 = arith.constant 0 : index
    %get3A_7 = vector.load %arg3[%get3A_4, %get3A_5, %get3A_6] : memref<2x1000x128xf32, #tpu.memory_space<vmem>>, vector<1x1000x128xf32>
    %get3A_8 = vector.shape_cast %get3A_7 : vector<1x1000x128xf32> to vector<1000x128xf32>
    %slice3A_9 = vector.extract_strided_slice %get3A_8 {offsets = [0, 0], sizes = [1000, 1], strides = [1, 1]} : vector<1000x128xf32> to vector<1000x1xf32>
    %add3A = arith.addf %slice3A, %slice3A_9 : vector<1000x1xf32>
    %add3A_10 = arith.constant 1.000000e+00 : f32
    %add3A_11 = vector.broadcast %add3A_10 : f32 to vector<1000x1xf32>
    %add3A_12 = arith.addf %add3A, %add3A_11 : vector<1000x1xf32>
    %rsqrt3A = math.rsqrt %add3A_12 : vector<1000x1xf32>
    %get3A_13 = arith.constant 0 : index
    %get3A_14 = arith.constant 0 : index
    %get3A_15 = arith.constant 0 : index
    %get3A_16 = vector.load %arg1[%get3A_13, %get3A_14, %get3A_15] : memref<2x1000x128xf32, #tpu.memory_space<vmem>>, vector<1x1000x128xf32>
    %get3A_17 = vector.shape_cast %get3A_16 : vector<1x1000x128xf32> to vector<1000x128xf32>
    %get3A_18 = arith.constant 1 : index
    %get3A_19 = arith.constant 0 : index
    %get3A_20 = arith.constant 0 : index
    %get3A_21 = vector.load %arg1[%get3A_18, %get3A_19, %get3A_20] : memref<2x1000x128xf32, #tpu.memory_space<vmem>>, vector<1x1000x128xf32>
    %get3A_22 = vector.shape_cast %get3A_21 : vector<1x1000x128xf32> to vector<1000x128xf32>
    %add3A_23 = arith.addf %get3A_17, %get3A_22 : vector<1000x128xf32>
    %get3A_24 = arith.constant 0 : index
    %get3A_25 = arith.constant 0 : index
    %get3A_26 = vector.load %arg2[%get3A_24, %get3A_25] : memref<1000x128xf32, #tpu.memory_space<vmem>>, vector<1000x128xf32>
    %sub3A = arith.subf %add3A_23, %get3A_26 : vector<1000x128xf32>
    %mul3A = vector.broadcast %rsqrt3A : vector<1000x1xf32> to vector<1000x128xf32>
    %mul3A_27 = arith.mulf %mul3A, %sub3A : vector<1000x128xf32>
    %get3A_28 = arith.constant 0 : index
    %get3A_29 = arith.constant 0 : index
    %get3A_30 = vector.load %arg4[%get3A_28, %get3A_29] : memref<128x256xf32, #tpu.memory_space<vmem>>, vector<128x256xf32>
    %dot_general3A = arith.constant dense<0.000000e+00> : vector<1000x256xf32>
    %dot_general3A_31 = tpu.matmul %mul3A_27, %get3A_30, %dot_general3A {dimension_numbers = #tpu.dot_dimension_numbers<[1], [0], [0], [1], [0, 0, 1, 1], [], []>, transpose_lhs_hint = false} : vector<1000x128xf32>, vector<128x256xf32>, vector<1000x256xf32> -> vector<1000x256xf32>
    %get3A_32 = arith.constant 0 : index
    %get3A_33 = arith.constant 0 : index
    %get3A_34 = vector.load %arg5[%get3A_32, %get3A_33] : memref<1x256xf32, #tpu.memory_space<vmem>>, vector<1x256xf32>
    %add3A_35 = vector.broadcast %get3A_34 : vector<1x256xf32> to vector<1000x256xf32>
    %add3A_36 = arith.addf %dot_general3A_31, %add3A_35 : vector<1000x256xf32>
    %max3A = arith.constant 0.000000e+00 : f32
    %max3A_37 = vector.broadcast %max3A : f32 to vector<1000x256xf32>
    %max3A_38 = arith.maximumf %add3A_36, %max3A_37 : vector<1000x256xf32>
    %get3A_39 = arith.constant 0 : index
    %get3A_40 = arith.constant 0 : index
    %get3A_41 = vector.load %arg6[%get3A_39, %get3A_40] : memref<256x128xf32, #tpu.memory_space<vmem>>, vector<256x128xf32>
    %dot_general3A_42 = arith.constant dense<0.000000e+00> : vector<1000x128xf32>
    %dot_general3A_43 = tpu.matmul %max3A_38, %get3A_41, %dot_general3A_42 {dimension_numbers = #tpu.dot_dimension_numbers<[1], [0], [0], [1], [0, 0, 1, 1], [], []>, transpose_lhs_hint = false} : vector<1000x256xf32>, vector<256x128xf32>, vector<1000x128xf32> -> vector<1000x128xf32>
    %mul3A_44 = vector.broadcast %rsqrt3A : vector<1000x1xf32> to vector<1000x128xf32>
    %mul3A_45 = arith.mulf %mul3A_44, %dot_general3A_43 : vector<1000x128xf32>
    %swap3A = arith.constant 0 : index
    %swap3A_46 = arith.constant 0 : index
    %swap3A_47 = vector.load %arg7[%swap3A, %swap3A_46] : memref<1000x128xf32, #tpu.memory_space<vmem>>, vector<1000x128xf32>
    tpu.vector_store %arg7[%swap3A, %swap3A_46], %mul3A_45 {strides = array<i32>} : memref<1000x128xf32, #tpu.memory_space<vmem>>, vector<1000x128xf32>,
    return
  }
  func.func @transform_0(%arg0: i32) -> (i32, i32, i32) {
    %c0_i32 = arith.constant 0 : i32
    %c0_i32_0 = arith.constant 0 : i32
    %c0_i32_1 = arith.constant 0 : i32
    return %c0_i32, %arg0, %c0_i32_0 : i32, i32, i32
  }
  func.func @transform_1(%arg0: i32) -> (i32, i32) {
    %c0_i32 = arith.constant 0 : i32
    %c0_i32_0 = arith.constant 0 : i32
    return %arg0, %c0_i32 : i32, i32
  }
  func.func @transform_2(%arg0: i32) -> (i32, i32, i32) {
    %c0_i32 = arith.constant 0 : i32
    %c0_i32_0 = arith.constant 0 : i32
    %c0_i32_1 = arith.constant 0 : i32
    return %c0_i32, %arg0, %c0_i32_0 : i32, i32, i32
  }
  func.func @transform_3(%arg0: i32) -> (i32, i32) {
    %c0_i32 = arith.constant 0 : i32
    %c0_i32_0 = arith.constant 0 : i32
    %c0_i32_1 = arith.constant 0 : i32
    return %c0_i32, %c0_i32_0 : i32, i32
  }
  func.func @transform_4(%arg0: i32) -> (i32, i32) {
    %c0_i32 = arith.constant 0 : i32
    %c0_i32_0 = arith.constant 0 : i32
    %c0_i32_1 = arith.constant 0 : i32
    return %c0_i32, %c0_i32_0 : i32, i32
  }
  func.func @transform_5(%arg0: i32) -> (i32, i32) {
    %c0_i32 = arith.constant 0 : i32
    %c0_i32_0 = arith.constant 0 : i32
    %c0_i32_1 = arith.constant 0 : i32
    return %c0_i32, %c0_i32_0 : i32, i32
  }
  func.func @transform_6(%arg0: i32) -> (i32, i32) {
    %c0_i32 = arith.constant 0 : i32
    %c0_i32_0 = arith.constant 0 : i32
    return %arg0, %c0_i32 : i32, i32
  }
}

module attributes {stable_mosaic.version = 14 : i64} {
  func.func @_fin_body(%arg0: i32, %arg1: memref<2x1000x128xf32, #tpu.memory_space<vmem>>, %arg2: memref<1000x128xf32, #tpu.memory_space<vmem>>, %arg3: memref<2x1000x128xf32, #tpu.memory_space<vmem>>, %arg4: memref<1x128xf32, #tpu.memory_space<vmem>>, %arg5: memref<1000x128xf32, #tpu.memory_space<vmem>>) attributes {dimension_semantics = [#tpu.dimension_semantics<arbitrary>], iteration_bounds = array<i64: 10>, scalar_prefetch = 0 : i64, scratch_operands = 0 : i64, tpu.core_type = #tpu.core_type<tc>, window_params = [{transform_indices = @transform_0, window_bounds = array<i64: 2, 1000, 128>}, {transform_indices = @transform_1, window_bounds = array<i64: 1000, 128>}, {transform_indices = @transform_2, window_bounds = array<i64: 2, 1000, 128>}, {pipeline_mode = #tpu.pipeline_mode<synchronous>, transform_indices = @transform_3, window_bounds = array<i64: 1, 128>}, {transform_indices = @transform_4, window_bounds = array<i64: 1000, 128>}]} {
    %get3A = arith.constant 0 : index
    %get3A_0 = arith.constant 0 : index
    %get3A_1 = arith.constant 0 : index
    %get3A_2 = vector.load %arg3[%get3A, %get3A_0, %get3A_1] : memref<2x1000x128xf32, #tpu.memory_space<vmem>>, vector<1x1000x128xf32>
    %get3A_3 = vector.shape_cast %get3A_2 : vector<1x1000x128xf32> to vector<1000x128xf32>
    %slice3A = vector.extract_strided_slice %get3A_3 {offsets = [0, 0], sizes = [1000, 1], strides = [1, 1]} : vector<1000x128xf32> to vector<1000x1xf32>
    %get3A_4 = arith.constant 1 : index
    %get3A_5 = arith.constant 0 : index
    %get3A_6 = arith.constant 0 : index
    %get3A_7 = vector.load %arg3[%get3A_4, %get3A_5, %get3A_6] : memref<2x1000x128xf32, #tpu.memory_space<vmem>>, vector<1x1000x128xf32>
    %get3A_8 = vector.shape_cast %get3A_7 : vector<1x1000x128xf32> to vector<1000x128xf32>
    %slice3A_9 = vector.extract_strided_slice %get3A_8 {offsets = [0, 0], sizes = [1000, 1], strides = [1, 1]} : vector<1000x128xf32> to vector<1000x1xf32>
    %add3A = arith.addf %slice3A, %slice3A_9 : vector<1000x1xf32>
    %add3A_10 = arith.constant 1.000000e+00 : f32
    %add3A_11 = vector.broadcast %add3A_10 : f32 to vector<1000x1xf32>
    %add3A_12 = arith.addf %add3A, %add3A_11 : vector<1000x1xf32>
    %rsqrt3A = math.rsqrt %add3A_12 : vector<1000x1xf32>
    %get3A_13 = arith.constant 0 : index
    %get3A_14 = arith.constant 0 : index
    %get3A_15 = arith.constant 0 : index
    %get3A_16 = vector.load %arg1[%get3A_13, %get3A_14, %get3A_15] : memref<2x1000x128xf32, #tpu.memory_space<vmem>>, vector<1x1000x128xf32>
    %get3A_17 = vector.shape_cast %get3A_16 : vector<1x1000x128xf32> to vector<1000x128xf32>
    %get3A_18 = arith.constant 1 : index
    %get3A_19 = arith.constant 0 : index
    %get3A_20 = arith.constant 0 : index
    %get3A_21 = vector.load %arg1[%get3A_18, %get3A_19, %get3A_20] : memref<2x1000x128xf32, #tpu.memory_space<vmem>>, vector<1x1000x128xf32>
    %get3A_22 = vector.shape_cast %get3A_21 : vector<1x1000x128xf32> to vector<1000x128xf32>
    %add3A_23 = arith.addf %get3A_17, %get3A_22 : vector<1000x128xf32>
    %get3A_24 = arith.constant 0 : index
    %get3A_25 = arith.constant 0 : index
    %get3A_26 = vector.load %arg2[%get3A_24, %get3A_25] : memref<1000x128xf32, #tpu.memory_space<vmem>>, vector<1000x128xf32>
    %sub3A = arith.subf %add3A_23, %get3A_26 : vector<1000x128xf32>
    %mul3A = vector.broadcast %rsqrt3A : vector<1000x1xf32> to vector<1000x128xf32>
    %mul3A_27 = arith.mulf %mul3A, %sub3A : vector<1000x128xf32>
    %get3A_28 = arith.constant 0 : index
    %get3A_29 = arith.constant 0 : index
    %get3A_30 = vector.load %arg4[%get3A_28, %get3A_29] : memref<1x128xf32, #tpu.memory_space<vmem>>, vector<1x128xf32>
    %add3A_31 = vector.broadcast %get3A_30 : vector<1x128xf32> to vector<1000x128xf32>
    %add3A_32 = arith.addf %mul3A_27, %add3A_31 : vector<1000x128xf32>
    %swap3A = arith.constant 0 : index
    %swap3A_33 = arith.constant 0 : index
    %swap3A_34 = vector.load %arg5[%swap3A, %swap3A_33] : memref<1000x128xf32, #tpu.memory_space<vmem>>, vector<1000x128xf32>
    tpu.vector_store %arg5[%swap3A, %swap3A_33], %add3A_32 {strides = array<i32>} : memref<1000x128xf32, #tpu.memory_space<vmem>>, vector<1000x128xf32>,
    return
  }
  func.func @transform_0(%arg0: i32) -> (i32, i32, i32) {
    %c0_i32 = arith.constant 0 : i32
    %c0_i32_0 = arith.constant 0 : i32
    %c0_i32_1 = arith.constant 0 : i32
    return %c0_i32, %arg0, %c0_i32_0 : i32, i32, i32
  }
  func.func @transform_1(%arg0: i32) -> (i32, i32) {
    %c0_i32 = arith.constant 0 : i32
    %c0_i32_0 = arith.constant 0 : i32
    return %arg0, %c0_i32 : i32, i32
  }
  func.func @transform_2(%arg0: i32) -> (i32, i32, i32) {
    %c0_i32 = arith.constant 0 : i32
    %c0_i32_0 = arith.constant 0 : i32
    %c0_i32_1 = arith.constant 0 : i32
    return %c0_i32, %arg0, %c0_i32_0 : i32, i32, i32
  }
  func.func @transform_3(%arg0: i32) -> (i32, i32) {
    %c0_i32 = arith.constant 0 : i32
    %c0_i32_0 = arith.constant 0 : i32
    %c0_i32_1 = arith.constant 0 : i32
    return %c0_i32, %c0_i32_0 : i32, i32
  }
  func.func @transform_4(%arg0: i32) -> (i32, i32) {
    %c0_i32 = arith.constant 0 : i32
    %c0_i32_0 = arith.constant 0 : i32
    return %arg0, %c0_i32 : i32, i32
  }
}

</mosaic_0001>

<sc_bundles>
// kernel: kernel.11.cloned.1.call-start
scs
__scs_entry_jumppad:
0x0: {  	(pc) =	sbr.rel $0x88, $3  }
0x1: {  	(tag) =	ssettag $0x0;
	lr =	simm.s32 $0x1  }
0x2: {  	[smem:$0x3F9B] =	sst lr;
	_ =	strace $0xD0000000  }
0x3: {  	_ = 	snop  }
0x4: {  	_ = 	snop  }
0x5: {  	_ = 	snop  }
0x6: {  	_ = 	snop  }
0x7: {  	_ = 	snop  }
__scs_overlays_trampoline_lowered:
0x8: {  	[smem:$0x3FAA] =	sst s0  }
0x9: {  	[smem:$0x3FAB] =	sst s1  }
0xa: {  	[smem:$0x3FAC] =	sst s2  }
0xb: {  	[smem:$0x3FAD] =	sst s3  }
0xc: {  	[smem:$0x3FAE] =	sst s4  }
0xd: {  	[smem:$0x3FAF] =	sst s5  }
0xe: {  	[smem:$0x3FB0] =	sst s6  }
0xf: {  	[smem:$0x3FB1] =	sst s7  }
0x10: {  	[smem:$0x3FB2] =	sst s8  }
0x11: {  	[smem:$0x3FB3] =	sst s9;
	s0 =	simm.s32 @!p0 $0x0  }
0x12: {  	s1 =	sld [smem:$0x3F99];
	s0 =	simm.s32 @p0 $0x1  }
0x13: {  	[smem:$0x3FB4] =	sst s0;
	s0 =	simm.s32 @!p1 $0x0  }
0x14: {  	s2 =	sld [smem:$0x3F98];
	s0 =	simm.s32 @p1 $0x1  }
0x15: {  	[smem:$0x3FB5] =	sst s0;
	s0 =	simm.s32 @!p2 $0x0  }
0x16: {  	s3 =	sld [smem:$0x3FDB];
	s0 =	simm.s32 @p2 $0x1  }
0x17: {  	s4 =	simm.s32 $0x1BF5;
	[smem:$0x3FB7] =	sst s0  }
0x18: {  	s0 =	sld [smem:$0x3F9A];
	_ =	swait.ge [sflag:s4], $0x0  }
0x19: {  	s7 =	sld [smem:$0x3F9B]  }
0x1a: {  	s8 =	sadd.s32 $0xFFFFE003, lr  }
0x1b: {  	s9 =	sadd.s32 $0xFFFFFEF7, lr;
	s5 =	simm.s32 $0xFFFFFFFF;
	p2 =	slt.u32 s8, $0xFFFFF086  }
0x1c: {  	p1 =	slt.u32 s9, $0xF7A;
	s5 =	simm.s32 @!p2 $0x0  }
0x1d: {  	s5 =	simm.s32 @p1 $0x1;
	p0 =	seq.s32 s7, s2  }
0x1e: {  	s7 =	smul.u32 @!p0 $0xF7A, s2;
	p2 =	seq.s32 @!p0 s5, $0x0  }
0x1f: {  	s9 =	smul.u32 $0xF7A, s1;
	s8 =	simm.s32 @!p0 $0x1BF5;
	p2 =	por !p2, p0  }
0x20: {  	[sflag:s8] =	ssyncset.s32 @!p0 $0xFFFFF086;
	s6 =	sadd.s32 @!p0 s3, s7;
	s7 =	simm.s32 @!p0 $0x108  }
0x21: {  	s3 =	sadd.s32 s3, s9;
	s6 =	sadd.s32 @!p0 $0x88, s6;
	s7 =	simm.s32 @p2 $0x1082  }
0x22: {  	[simem:s7], [sflag:s8] =	dma.local @!p0 [hbm:s6], $0xF7A  }
0x23: {  	s9 =	sor.u32 $0xD0000000, s2;
	s6 =	simm.s32 $0x108;
	_ =	swait.ge @!p0 [sflag:s8], $0x0  }
0x24: {  	s3 =	sadd.s32 $0x88, s3;
	s6 =	simm.s32 @!p1 $0x1082;
	[sflag:s4] =	ssyncset.s32 $0xFFFFF086  }
0x25: {  	[simem:s6], [sflag:s4] =	dma.local [hbm:s3], $0xF7A  }
0x26: {  	[smem:$0x3F9B] =	sst s1;
	(tag) =	ssettag s2;
	_ =	strace s9  }
0x27: {  	s1 =	sld [smem:$0x3FAB]  }
0x28: {  	s2 =	sld [smem:$0x3FAC]  }
0x29: {  	s4 =	sld [smem:$0x3FAE]  }
0x2a: {  	p0 =	seq.s32 s5, $0x0;
	s5 =	sld [smem:$0x3FAF]  }
0x2b: {  	s6 =	sld [smem:$0x3FB0]  }
0x2c: {  	s7 =	sld [smem:$0x3FB1]  }
0x2d: {  	s3 =	simm.s32 $0x108;
	s8 =	sld [smem:$0x3FB2]  }
0x2e: {  	s3 =	simm.s32 @!p0 $0x1082;
	s9 =	sld [smem:$0x3FB3]  }
0x2f: {  	lr =	sadd.s32 s0, s3;
	s0 =	sld [smem:$0x3FAA]  }
0x30: {  	s3 =	sld [smem:$0x3FAD]  }
0x31: {  	[smem:$0x3FB6] =	sst s10  }
0x32: {  	s10 =	sld [smem:$0x3FB4];
	_ =	sdelay $0x3  }
0x33: {  	p0 =	seq.s32 s10, $0x1;
	s10 =	sld [smem:$0x3FB6];
	_ =	sdelay $0x3  }
0x34: {  	[smem:$0x3FB6] =	sst s10  }
0x35: {  	s10 =	sld [smem:$0x3FB5];
	_ =	sdelay $0x3  }
0x36: {  	p1 =	seq.s32 s10, $0x1;
	s10 =	sld [smem:$0x3FB6];
	_ =	sdelay $0x3  }
0x37: {  	[smem:$0x3FB6] =	sst s10  }
0x38: {  	s10 =	sld [smem:$0x3FB7]  }
0x39: {  	_ = 	snop;
	(pc) =	sbr.ind lr, $3  }
0x3a: {  	_ = 	snop  }
0x3b: {  	_ = 	snop  }
0x3c: {  	p2 =	seq.s32 s10, $0x1;
	s10 =	sld [smem:$0x3FB6]  }
0x3d: {  	_ =	shalt  }
0x3e: {  	_ =	shalt  }
0x3f: {  	_ =	shalt  }
0x40: {  	_ =	shalt  }
0x41: {  	_ =	shalt  }
0x42: {  	_ =	shalt  }
0x43: {  	_ =	shalt  }
0x44: {  	_ =	shalt  }
0x45: {  	_ =	shalt  }
0x46: {  	_ =	shalt  }
0x47: {  	_ =	shalt  }
0x48: {  	_ =	shalt  }
0x49: {  	_ =	shalt  }
0x4a: {  	_ =	shalt  }
0x4b: {  	_ =	shalt  }
0x4c: {  	_ =	shalt  }
0x4d: {  	_ =	shalt  }
0x4e: {  	_ =	shalt  }
0x4f: {  	_ =	shalt  }
0x50: {  	_ =	shalt  }
0x51: {  	_ =	shalt  }
0x52: {  	_ =	shalt  }
0x53: {  	_ =	shalt  }
0x54: {  	_ =	shalt  }
0x55: {  	_ =	shalt  }
0x56: {  	_ =	shalt  }
0x57: {  	_ =	shalt  }
0x58: {  	_ =	shalt  }
0x59: {  	_ =	shalt  }
0x5a: {  	_ =	shalt  }
0x5b: {  	_ =	shalt  }
0x5c: {  	_ =	shalt  }
0x5d: {  	_ =	shalt  }
0x5e: {  	_ =	shalt  }
0x5f: {  	_ =	shalt  }
0x60: {  	_ =	shalt  }
0x61: {  	_ =	shalt  }
0x62: {  	_ =	shalt  }
0x63: {  	_ =	shalt  }
0x64: {  	_ =	shalt  }
0x65: {  	_ =	shalt  }
0x66: {  	_ =	shalt  }
0x67: {  	_ =	shalt  }
0x68: {  	_ =	shalt  }
0x69: {  	_ =	shalt  }
0x6a: {  	_ =	shalt  }
0x6b: {  	_ =	shalt  }
0x6c: {  	_ =	shalt  }
0x6d: {  	_ =	shalt  }
0x6e: {  	_ =	shalt  }
0x6f: {  	_ =	shalt  }
0x70: {  	_ =	shalt  }
0x71: {  	_ =	shalt  }
0x72: {  	_ =	shalt  }
0x73: {  	_ =	shalt  }
0x74: {  	_ =	shalt  }
0x75: {  	_ =	shalt  }
0x76: {  	_ =	shalt  }
0x77: {  	_ =	shalt  }
0x78: {  	_ =	shalt  }
0x79: {  	_ =	shalt  }
0x7a: {  	_ =	shalt  }
0x7b: {  	_ =	shalt  }
0x7c: {  	_ =	shalt  }
0x7d: {  	_ =	shalt  }
0x7e: {  	_ =	shalt  }
0x7f: {  	_ =	shalt  }
0x80: {  	_ =	shalt  }
0x81: {  	_ =	shalt  }
0x82: {  	_ =	shalt  }
0x83: {  	_ =	shalt  }
0x84: {  	_ =	shalt  }
0x85: {  	_ =	shalt  }
0x86: {  	_ =	shalt  }
0x87: {  	_ =	shalt  }
.Lfunc_end0:
.L_simem_size_0:
called_computation.1_lowered:
.L_overlay_start_0:
0x88: {  	s2 =	sld [smem:$0x3FD9]  }
0x89: {  	s3 =	sld [smem:$0x3FFE];
	_ =	sdelay $0x1  }
0x8a: {  	s1 =	srdreg.scid  }
0x8b: {  	s0 =	sand.u32 $0x1, s1  }
0x8c: {  	s17 =	sshll.u32 s0, $0xA;
	s2 =	sadd.s32 s3, s2  }
0x8d: {  	s2 =	sadd.s32 s2, s17  }
0x8e: {  	[smem:$0x3FC2] =	sst s2  }
0x8f: {  	_ = 	snop  }
0x90: {  	s2 =	sld [smem:$0x3FD0];
	(tm) =	ssettm $0x1  }
0x91: {  	s18 =	sld [smem:$0x3FFB];
	_ =	sdelay $0x3  }
0x92: {  	_ =	strace s18  }
0x93: {  	s3 =	sld [smem:$0x3FFC];
	_ =	sdelay $0x3  }
0x94: {  	_ =	strace s3  }
0x95: {  	s3 =	sld [smem:$0x3FFD];
	_ =	sdelay $0x3  }
0x96: {  	_ =	strace s3  }
0x97: {  	_ =	strace $0x8FFFFFFF  }
0x98: {  	s19 =	sld [smem:$0x3FDB];
	_ =	sdelay $0x1  }
0x99: {  	s4 =	simm.s32 $_scs_section_size  }
0x9a: {  	s5 =	simm.s32 $_size__tile_overlayer_lowered;
	s6 =	simm.s32 $_tile_overlayer_lowered  }
0x9b: {  	s22 =	simm.s32 $0x1BFF;
	s21 =	sshll.u32 s6, $0x1;
	s3 =	sadd.s32 s4, s19  }
0x9c: {  	s7 =	simm.s32 $0x0;
	s20 =	sshll.u32 s5, $0x1;
	s5 =	sadd.s32 s21, s3  }
0x9d: {  	[timem:s7], [sflag:s22] =	dma.local [hbm:s5], s20  }
0x9e: {  	_ =	swait.ge [sflag:s22], s20  }
0x9f: {  	s4 =	ssub.s32 $0x0, s20;
	[sflag:s22] =	ssyncset.done $0x0  }
0xa0: {  	[sflag:s22] =	ssyncadd.s32 s4;
	_ =	sdelay $0x1  }
0xa1: {  	s23 =	simm.s32 $0x1B8B  }
0xa2: {  	_ =	swait.ge [sflag:s23], $0x1  }
0xa3: {  	[sflag:s23] =	ssyncset.done $0x0  }
0xa4: {  	s25 =	simm.s32 $0x1B8E;
	s24 =	sld [smem:$0x3FFE];
	[sflag:s23] =	ssyncadd.s32 $0xFFFFFFFF  }
0xa5: {  	s26 =	simm.s32 $execute0_lowered;
	[smem:$0x3FD2] =	sst s25  }
0xa6: {  	s5 =	sshll.u32 s26, $0x1;
	_ =	strace $0x80000049;
	[dreg:$0x1] =	wrdreg $0xFFFFFFFF  }
0xa7: {  	s28 =	simm.s32 $_size_execute0_lowered;
	s3 =	sadd.s32 s3, s5;
	[dreg:$0x0] =	wrdreg $0x0  }
0xa8: {  	s5 =	sshll.u32 s28, $0x1;
	[dreg:$0x2] =	wrdreg s3  }
0xa9: {  	[dreg:$0x3] =	wrdreg s5  }
0xaa: {  	[dreg:$0x4] =	wrdreg $0xC0  }
0xab: {  	_ =	task [dreg:s7], $0x5FFFF  }
0xac: {  	[dreg:$0x1] =	wrdreg $0xFFFFFFFF  }
0xad: {  	[dreg:$0x0] =	wrdreg $0x60  }
0xae: {  	[dreg:$0x2] =	wrdreg s2  }
0xaf: {  	[dreg:$0x3] =	wrdreg s24  }
0xb0: {  	[dreg:$0x4] =	wrdreg $0x29000  }
0xb1: {  	[dreg:$0x5] =	wrdreg $0x9  }
0xb2: {  	_ =	task.clear_ibuf [dreg:s7], $0x6FFFF;
	_ =	strace $0x90000049  }
0xb3: {  	s29 =	simm.s32 $0x9;
	_ =	strace $0x8000004B  }
0xb4: {  	_ =	swait.ge [sflag:s29], $0x1  }
0xb5: {  	[sflag:s29] =	ssyncadd.s32 $0xFFFFFFFF  }
0xb6: {  	_ =	strace $0x9000004B  }
0xb7: {  	_ =	sfence  }
0xb8: {  	s30 =	sld [smem:$0x0];
	_ =	sdelay $0x2  }
0xb9: {  	s31 =	sshll.u32 s1, $0xD;
	s1 =	sshrl.u32 s1, $0x2  }
0xba: {  	s3 =	sand.u32 $0x4000, s31;
	s1 =	sadd.s32 s1, s30  }
0xbb: {  	s0 =	sor.u32 s3, s0;
	s1 =	sshll.u32 s1, $0x11  }
0xbc: {  	s0 =	sor.u32 s1, s0  }
0xbd: {  	s0 =	sadd.s32 $0x8F2B, s0  }
0xbe: {  	[sflag:s0] =	ssyncadd.remote.s32 $0x1  }
0xbf: {  	_ =	sfence.sel $0xFFFF  }
0xc0: {  	[dreg:$0x0] =	wrdreg $0xFFFFFFFF;
	(pc) =	sbr.abs _section_cstart, $3  }
0xc1: {  	[dreg:$0x1] =	wrdreg $0xFFFFFFFF  }
0xc2: {  	_ =	task.clear_ibuf [dreg:s7], $0x2FFFF;
	_ =	strace $0x9FFFFFFF  }
0xc3: {  	(tm) =	ssettm $0x7FFFFFFF  }
tec
execute0_lowered:
.L_overlay_start_1:
0x0: {  	(tag) =	ssettag $0x1  }
0x1: {  	s0 =	rddreg [dreg:$0x0]  }
0x2: {  	s1 =	srdreg.scid;
	s4 =	rddreg [dreg:$0x1]  }
0x3: {  	s9 =	stileid.u32;
	s2 =	rddreg [dreg:$0x2];
	s3 =	simm.s32 $0x0  }
0x4: {  	s13 =	simm.s32 $0x80;
	s14 =	simm.s32 $0x50;
	s15 =	simm.s32 $0x100  }
0x5: {  	s16 =	simm.s32 $0x1;
	s17 =	simm.s32 $0x0;
	s7 =	smul.u32 $0x2710, s9  }
0x6: {  	s6 =	sand.u32 $0x1, s1;
	s1 =	rddreg [dreg:$0x3];
	s31 =	smul.u32 $0x50000, s9  }
0x7: {  	[smem:$0x7FF] =	sst s3;
	p0 =	seq.s32 s9, $0xF;
	s5 =	smul.u32 $0x27100, s6  }
0x8: {  	s12 =	smul.u32 $0x14000, s9;
	_ =	strace $0x8000004A;
	s29 =	ssub.s32 $0x2, s6  }
0x9: {  	s11 =	smul.u32 $0x138800, s6;
	s10 =	sshrl.u32 s29, $0x1;
	s5 =	sadd.s32 s7, s5  }
0xa: {  	s30 =	ssub.s32 s29, s10;
	s10 =	sshrl.u32 s31, $0x2;
	s5 =	sshrl.u32 s5, $0x3  }
0xb: {  	s6 =	smax.u32 s30, $0x1;
	s8 =	sadd.s32 s5, s4;
	s5 =	simm.s32 $0x5  }
0xc: {  	s10 =	sadd.s32 s10, s2;
	s4 =	sadd.s32 $0x64600, s4;
	s5 =	simm.s32 @!p0 $0x8  }
0xd: {  	s7 =	sadd.s32 $0xC000, s8;
	s8 =	sadd.s32 $0x2200, s8;
	p0 =	sne.s32 s9, $0x0  }
0xe: {  	s9 =	sadd.s32 s12, s11;
	s12 =	simm.s32 $0x2;
	s11 =	sshrl.u32 @!p0 s2, $0x3  }
.LBB2_1:
0xf: {  	s18 =	simm.s32 @!p0 $0x1C02  }
0x10: {  	[spmem:s11], [sflag:s18] =	dma.local @!p0 [hbm:s0], $0x27100  }
0x11: {  	s18 =	simm.s32 @!p0 $0x2  }
0x12: {  	_ =	swait.ge @!p0 [sflag:s18], $0x27100  }
0x13: {  	[sflag:s18] =	ssyncset.done @!p0 $0x0  }
0x14: {  	[sflag:s18] =	ssyncadd.s32 @!p0 $0xFFFD8F00  }
0x15: {  	s30 =	sadd.s32 $0x0, s8;
	[bflag:$0x0] =	sbarrier.arrive $0xFFFF  }
0x16: {  	[tilespmem:s3], [sflag:$0x2] =	stream.linear.gather [hbm4b:s30+s3], $0x50, $0x38;
	[tilespmem:$0x16180] =	vst v63  }
0x17: {  	_ =	swait.ge [sflag:s12], $0x50  }
0x18: {  	[sflag:s12] =	ssyncset.done $0x0  }
0x19: {  	s31 =	sadd.s32 $0x0, s7;
	[sflag:s12] =	ssyncadd.s32 $0xFFFFFFB0  }
0x1a: {  	[tilespmem:s13], [sflag:$0x2] =	stream.linear.gather [hbm4b:s31+s3], $0x50, $0x38;
	[tilespmem:$0x16180] =	vst v63  }
0x1b: {  	_ =	swait.ge [sflag:s12], $0x50  }
0x1c: {  	[sflag:s12] =	ssyncset.done $0x0  }
0x1d: {  	[sflag:s12] =	ssyncadd.s32 $0xFFFFFFB0  }
0x1e: {  	[tilespmem:s15], [sflag:$0x1] =	stream.indirect.gather [hbm4b:s0+s14], $0x80, s3, s14, $0xb8;
	[tilespmem:$0x16180] =	vst v63  }
0x1f: {  	_ =	swait.ge [sflag:s16], $0x2800  }
0x20: {  	[sflag:s16] =	ssyncset.done $0x0  }
0x21: {  	[sflag:s16] =	ssyncadd.s32 $0xFFFFD800  }
0x22: {  	[spmem:s2] =	stream.indirect.scatter.add.f32 [tilespmem:s15], [sflag:$0x2], $0x80, s13, s14, $0xb8;
	[tilespmem:$0x16180] =	vst v63  }
0x23: {  	_ =	swait.ge [sflag:s12], $0x2800  }
0x24: {  	s19 =	simm.s32 $0x14;
	s18 =	simm.s32 $0xA;
	[sflag:s12] =	ssyncset.done $0x0  }
.LBB2_2:
0x25: {  	s20 =	sadd.s32 s18, s8  }
0x26: {  	[sflag:s12] =	ssyncadd.s32 $0xFFFFD800;
	s21 =	smov.u32 s19;
	s22 =	sadd.s32 $0xA, s19  }
0x27: {  	[tilespmem:s3], [sflag:$0x2] =	stream.linear.gather [hbm4b:s20+s3], $0x50, $0x38;
	[tilespmem:$0x16180] =	vst v63  }
0x28: {  	p1 =	sne.s32 s19, $0x4D8;
	_ =	swait.ge [sflag:s12], $0x50  }
0x29: {  	[sflag:s12] =	ssyncset.done $0x0  }
0x2a: {  	s19 =	sadd.s32 s18, s7;
	s18 =	smov.u32 s21;
	[sflag:s12] =	ssyncadd.s32 $0xFFFFFFB0  }
0x2b: {  	[tilespmem:s13], [sflag:$0x2] =	stream.linear.gather [hbm4b:s19+s3], $0x50, $0x38;
	[tilespmem:$0x16180] =	vst v63  }
0x2c: {  	_ =	swait.ge [sflag:s12], $0x50  }
0x2d: {  	[sflag:s12] =	ssyncset.done $0x0  }
0x2e: {  	[sflag:s12] =	ssyncadd.s32 $0xFFFFFFB0  }
0x2f: {  	[tilespmem:s15], [sflag:$0x1] =	stream.indirect.gather [hbm4b:s0+s14], $0x80, s3, s14, $0xb8;
	[tilespmem:$0x16180] =	vst v63  }
0x30: {  	_ =	swait.ge [sflag:s16], $0x2800  }
.Ltmp0:
0x31: {  	[sflag:s16] =	ssyncset.done $0x0;
	(pc) =	sbr.rel @p1 .LBB2_2-.Ltmp0, $4  }
0x32: {  	[sflag:s16] =	ssyncadd.s32 $0xFFFFD800  }
0x33: {  	[spmem:s2] =	stream.indirect.scatter.add.f32 [tilespmem:s15], [sflag:$0x2], $0x80, s13, s14, $0xb8;
	[tilespmem:$0x16180] =	vst v63  }
0x34: {  	_ =	swait.ge [sflag:s12], $0x2800  }
0x35: {  	s19 =	smov.u32 s22;
	[sflag:s12] =	ssyncset.done $0x0  }
0x36: {  	s19 =	sadd.s32 s18, s8;
	[sflag:s12] =	ssyncadd.s32 $0xFFFFD800  }
0x37: {  	[tilespmem:s3], [sflag:$0x2] =	stream.linear.gather [hbm4b:s19+s3], $0x50, $0x38;
	[tilespmem:$0x16180] =	vst v63  }
0x38: {  	_ =	swait.ge [sflag:s12], $0x50  }
0x39: {  	[sflag:s12] =	ssyncset.done $0x0  }
0x3a: {  	s30 =	sadd.s32 s18, s7;
	[sflag:s12] =	ssyncadd.s32 $0xFFFFFFB0  }
0x3b: {  	[tilespmem:s13], [sflag:$0x2] =	stream.linear.gather [hbm4b:s30+s3], $0x50, $0x38;
	[tilespmem:$0x16180] =	vst v63  }
0x3c: {  	_ =	swait.ge [sflag:s12], $0x50  }
0x3d: {  	[sflag:s12] =	ssyncset.done $0x0  }
0x3e: {  	[sflag:s12] =	ssyncadd.s32 $0xFFFFFFB0  }
0x3f: {  	[tilespmem:s15], [sflag:$0x1] =	stream.indirect.gather [hbm4b:s0+s14], $0x80, s3, s14, $0xb8;
	[tilespmem:$0x16180] =	vst v63  }
0x40: {  	_ =	swait.ge [sflag:s16], $0x2800  }
0x41: {  	[sflag:s16] =	ssyncset.done $0x0  }
0x42: {  	[sflag:s16] =	ssyncadd.s32 $0xFFFFD800  }
0x43: {  	[spmem:s2] =	stream.indirect.scatter.add.f32 [tilespmem:s15], [sflag:$0x2], $0x80, s13, s14, $0xb8;
	[tilespmem:$0x16180] =	vst v63  }
0x44: {  	_ =	swait.ge [sflag:s12], $0x2800  }
0x45: {  	[sflag:s12] =	ssyncset.done $0x0  }
0x46: {  	[sflag:s12] =	ssyncadd.s32 $0xFFFFD800  }
0x47: {  	[bflag:$0x0] =	sbarrier.arrive $0xFFFF  }
0x48: {  	[tilespmem:s15], [sflag:$0x2] =	stream.linear.gather [spmem:s10], $0x2800, $0x38;
	[tilespmem:$0x16180] =	vst v63  }
0x49: {  	p1 =	sne.s32 s5, $0x1;
	_ =	swait.ge [sflag:s12], $0x2800  }
.Ltmp1:
0x4a: {  	s31 =	sshrl.u32 s9, $0x3;
	[sflag:s12] =	ssyncset.done $0x0;
	(pc) =	sbr.rel @!p1 .LBB2_5-.Ltmp1, $4  }
0x4b: {  	s18 =	sadd.s32 s4, s31;
	[sflag:s12] =	ssyncadd.s32 $0xFFFFD800  }
0x4c: {  	[hbm4b:s18+s3] =	stream.linear.scatter [tilespmem:s15], [sflag:$0x2], $0x2800, $0x38;
	[tilespmem:$0x16180] =	vst v63  }
0x4d: {  	s20 =	smov.u32 s10;
	_ =	swait.ge [sflag:s12], $0x2800  }
0x4e: {  	s19 =	smov.u32 s9;
	s18 =	sadd.s32 $0xFFFFFFFF, s5;
	[sflag:s12] =	ssyncset.done $0x0  }
.LBB2_4:
0x4f: {  	[sflag:s12] =	ssyncadd.s32 $0xFFFFD800;
	s19 =	sadd.s32 $0x2800, s19;
	s20 =	sadd.s32 $0x2800, s20  }
0x50: {  	[tilespmem:s15], [sflag:$0x2] =	stream.linear.gather [spmem:s20], $0x2800, $0x38;
	[tilespmem:$0x16180] =	vst v63  }
0x51: {  	p1 =	sne.s32 s18, $0x1;
	s18 =	sadd.s32 $0xFFFFFFFF, s18;
	_ =	swait.ge [sflag:s12], $0x2800  }
.Ltmp2:
0x52: {  	s21 =	sshrl.u32 s19, $0x3;
	[sflag:s12] =	ssyncset.done $0x0;
	(pc) =	sbr.rel @p1 .LBB2_4-.Ltmp2, $4  }
0x53: {  	s21 =	sadd.s32 s4, s21;
	[sflag:s12] =	ssyncadd.s32 $0xFFFFD800  }
0x54: {  	[hbm4b:s21+s3] =	stream.linear.scatter [tilespmem:s15], [sflag:$0x2], $0x2800, $0x38;
	[tilespmem:$0x16180] =	vst v63  }
0x55: {  	_ =	swait.ge [sflag:s12], $0x2800  }
0x56: {  	[sflag:s12] =	ssyncset.done $0x0  }
.LBB2_5:
0x57: {  	s17 =	sadd.s32 $0x1, s17  }
0x58: {  	p1 =	sne.s32 s17, s6  }
.Ltmp3:
0x59: {  	_ = 	snop;
	(pc) =	sbr.rel @p1 .LBB2_1-.Ltmp3, $2  }
0x5a: {  	_ =	sdelay $0x2  }
0x5b: {  	[sflag:s12] =	ssyncadd.s32 $0xFFFFD800  }
0x5c: {  	_ =	sfence.sel $0x180000  }
0x5d: {  	[bflag:$0x0] =	sbarrier.arrive $0xFFFF  }
0x5e: {  	_ =	strace $0x9000004A  }
0x5f: {  	s0 =	sadd.s32 @!p0 $0x100000, s1;
	[bflag:$0x2] =	sbarrier.arrive $0xFFFF  }
0x60: {  	[sflag:s0] =	ssyncadd.tile.s32 @!p0 $0x1;
	_ =	shalt  }
.Lfunc_end2:
_tile_overlayer_lowered:
.L_overlay_start_2:
0x61: {  	(tag) =	ssettag $0x2  }
0x62: {  	s0 =	rddreg [dreg:$0x0];
	s2 =	stileid.u32  }
0x63: {  	s1 =	rddreg [dreg:$0x1];
	p0 =	sne.s32 s2, $0x0  }
0x64: {  	s3 =	rddreg [dreg:$0x2];
	[bflag:$0x3] =	sbarrier.arrive $0xFFFF;
	s2 =	simm.s32 @!p0 $0x1C02  }
0x65: {  	[timem:s3], [sflag:s2] =	dma.local @!p0 [hbm:s0], s1  }
0x66: {  	s0 =	simm.s32 @!p0 $0x2  }
0x67: {  	_ =	swait.ge @!p0 [sflag:s0], s1  }
0x68: {  	s1 =	ssub.s32 @!p0 $0x0, s1;
	[sflag:s0] =	ssyncset.done @!p0 $0x0  }
0x69: {  	[sflag:s0] =	ssyncadd.s32 @!p0 s1  }
0x6a: {  	[bflag:$0x3] =	sbarrier.arrive $0xFFFF  }
0x6b: {  	_ =	shalt  }

// kernel: kernel.14.cloned.1.call-start
scs
__scs_entry_jumppad:
0x0: {  	(pc) =	sbr.rel $0x88, $3  }
0x1: {  	(tag) =	ssettag $0x0;
	lr =	simm.s32 $0x1  }
0x2: {  	[smem:$0x3F9B] =	sst lr;
	_ =	strace $0xD0000000  }
0x3: {  	_ = 	snop  }
0x4: {  	_ = 	snop  }
0x5: {  	_ = 	snop  }
0x6: {  	_ = 	snop  }
0x7: {  	_ = 	snop  }
__scs_overlays_trampoline_lowered:
0x8: {  	[smem:$0x3FAA] =	sst s0  }
0x9: {  	[smem:$0x3FAB] =	sst s1  }
0xa: {  	[smem:$0x3FAC] =	sst s2  }
0xb: {  	[smem:$0x3FAD] =	sst s3  }
0xc: {  	[smem:$0x3FAE] =	sst s4  }
0xd: {  	[smem:$0x3FAF] =	sst s5  }
0xe: {  	[smem:$0x3FB0] =	sst s6  }
0xf: {  	[smem:$0x3FB1] =	sst s7  }
0x10: {  	[smem:$0x3FB2] =	sst s8  }
0x11: {  	[smem:$0x3FB3] =	sst s9;
	s0 =	simm.s32 @!p0 $0x0  }
0x12: {  	s1 =	sld [smem:$0x3F99];
	s0 =	simm.s32 @p0 $0x1  }
0x13: {  	[smem:$0x3FB4] =	sst s0;
	s0 =	simm.s32 @!p1 $0x0  }
0x14: {  	s2 =	sld [smem:$0x3F98];
	s0 =	simm.s32 @p1 $0x1  }
0x15: {  	[smem:$0x3FB5] =	sst s0;
	s0 =	simm.s32 @!p2 $0x0  }
0x16: {  	s3 =	sld [smem:$0x3FDB];
	s0 =	simm.s32 @p2 $0x1  }
0x17: {  	s4 =	simm.s32 $0x1BF5;
	[smem:$0x3FB7] =	sst s0  }
0x18: {  	s0 =	sld [smem:$0x3F9A];
	_ =	swait.ge [sflag:s4], $0x0  }
0x19: {  	s7 =	sld [smem:$0x3F9B]  }
0x1a: {  	s8 =	sadd.s32 $0xFFFFE003, lr  }
0x1b: {  	s9 =	sadd.s32 $0xFFFFFEF7, lr;
	s5 =	simm.s32 $0xFFFFFFFF;
	p2 =	slt.u32 s8, $0xFFFFF086  }
0x1c: {  	p1 =	slt.u32 s9, $0xF7A;
	s5 =	simm.s32 @!p2 $0x0  }
0x1d: {  	s5 =	simm.s32 @p1 $0x1;
	p0 =	seq.s32 s7, s2  }
0x1e: {  	s7 =	smul.u32 @!p0 $0xF7A, s2;
	p2 =	seq.s32 @!p0 s5, $0x0  }
0x1f: {  	s9 =	smul.u32 $0xF7A, s1;
	s8 =	simm.s32 @!p0 $0x1BF5;
	p2 =	por !p2, p0  }
0x20: {  	[sflag:s8] =	ssyncset.s32 @!p0 $0xFFFFF086;
	s6 =	sadd.s32 @!p0 s3, s7;
	s7 =	simm.s32 @!p0 $0x108  }
0x21: {  	s3 =	sadd.s32 s3, s9;
	s6 =	sadd.s32 @!p0 $0x88, s6;
	s7 =	simm.s32 @p2 $0x1082  }
0x22: {  	[simem:s7], [sflag:s8] =	dma.local @!p0 [hbm:s6], $0xF7A  }
0x23: {  	s9 =	sor.u32 $0xD0000000, s2;
	s6 =	simm.s32 $0x108;
	_ =	swait.ge @!p0 [sflag:s8], $0x0  }
0x24: {  	s3 =	sadd.s32 $0x88, s3;
	s6 =	simm.s32 @!p1 $0x1082;
	[sflag:s4] =	ssyncset.s32 $0xFFFFF086  }
0x25: {  	[simem:s6], [sflag:s4] =	dma.local [hbm:s3], $0xF7A  }
0x26: {  	[smem:$0x3F9B] =	sst s1;
	(tag) =	ssettag s2;
	_ =	strace s9  }
0x27: {  	s1 =	sld [smem:$0x3FAB]  }
0x28: {  	s2 =	sld [smem:$0x3FAC]  }
0x29: {  	s4 =	sld [smem:$0x3FAE]  }
0x2a: {  	p0 =	seq.s32 s5, $0x0;
	s5 =	sld [smem:$0x3FAF]  }
0x2b: {  	s6 =	sld [smem:$0x3FB0]  }
0x2c: {  	s7 =	sld [smem:$0x3FB1]  }
0x2d: {  	s3 =	simm.s32 $0x108;
	s8 =	sld [smem:$0x3FB2]  }
0x2e: {  	s3 =	simm.s32 @!p0 $0x1082;
	s9 =	sld [smem:$0x3FB3]  }
0x2f: {  	lr =	sadd.s32 s0, s3;
	s0 =	sld [smem:$0x3FAA]  }
0x30: {  	s3 =	sld [smem:$0x3FAD]  }
0x31: {  	[smem:$0x3FB6] =	sst s10  }
0x32: {  	s10 =	sld [smem:$0x3FB4];
	_ =	sdelay $0x3  }
0x33: {  	p0 =	seq.s32 s10, $0x1;
	s10 =	sld [smem:$0x3FB6];
	_ =	sdelay $0x3  }
0x34: {  	[smem:$0x3FB6] =	sst s10  }
0x35: {  	s10 =	sld [smem:$0x3FB5];
	_ =	sdelay $0x3  }
0x36: {  	p1 =	seq.s32 s10, $0x1;
	s10 =	sld [smem:$0x3FB6];
	_ =	sdelay $0x3  }
0x37: {  	[smem:$0x3FB6] =	sst s10  }
0x38: {  	s10 =	sld [smem:$0x3FB7]  }
0x39: {  	_ = 	snop;
	(pc) =	sbr.ind lr, $3  }
0x3a: {  	_ = 	snop  }
0x3b: {  	_ = 	snop  }
0x3c: {  	p2 =	seq.s32 s10, $0x1;
	s10 =	sld [smem:$0x3FB6]  }
0x3d: {  	_ =	shalt  }
0x3e: {  	_ =	shalt  }
0x3f: {  	_ =	shalt  }
0x40: {  	_ =	shalt  }
0x41: {  	_ =	shalt  }
0x42: {  	_ =	shalt  }
0x43: {  	_ =	shalt  }
0x44: {  	_ =	shalt  }
0x45: {  	_ =	shalt  }
0x46: {  	_ =	shalt  }
0x47: {  	_ =	shalt  }
0x48: {  	_ =	shalt  }
0x49: {  	_ =	shalt  }
0x4a: {  	_ =	shalt  }
0x4b: {  	_ =	shalt  }
0x4c: {  	_ =	shalt  }
0x4d: {  	_ =	shalt  }
0x4e: {  	_ =	shalt  }
0x4f: {  	_ =	shalt  }
0x50: {  	_ =	shalt  }
0x51: {  	_ =	shalt  }
0x52: {  	_ =	shalt  }
0x53: {  	_ =	shalt  }
0x54: {  	_ =	shalt  }
0x55: {  	_ =	shalt  }
0x56: {  	_ =	shalt  }
0x57: {  	_ =	shalt  }
0x58: {  	_ =	shalt  }
0x59: {  	_ =	shalt  }
0x5a: {  	_ =	shalt  }
0x5b: {  	_ =	shalt  }
0x5c: {  	_ =	shalt  }
0x5d: {  	_ =	shalt  }
0x5e: {  	_ =	shalt  }
0x5f: {  	_ =	shalt  }
0x60: {  	_ =	shalt  }
0x61: {  	_ =	shalt  }
0x62: {  	_ =	shalt  }
0x63: {  	_ =	shalt  }
0x64: {  	_ =	shalt  }
0x65: {  	_ =	shalt  }
0x66: {  	_ =	shalt  }
0x67: {  	_ =	shalt  }
0x68: {  	_ =	shalt  }
0x69: {  	_ =	shalt  }
0x6a: {  	_ =	shalt  }
0x6b: {  	_ =	shalt  }
0x6c: {  	_ =	shalt  }
0x6d: {  	_ =	shalt  }
0x6e: {  	_ =	shalt  }
0x6f: {  	_ =	shalt  }
0x70: {  	_ =	shalt  }
0x71: {  	_ =	shalt  }
0x72: {  	_ =	shalt  }
0x73: {  	_ =	shalt  }
0x74: {  	_ =	shalt  }
0x75: {  	_ =	shalt  }
0x76: {  	_ =	shalt  }
0x77: {  	_ =	shalt  }
0x78: {  	_ =	shalt  }
0x79: {  	_ =	shalt  }
0x7a: {  	_ =	shalt  }
0x7b: {  	_ =	shalt  }
0x7c: {  	_ =	shalt  }
0x7d: {  	_ =	shalt  }
0x7e: {  	_ =	shalt  }
0x7f: {  	_ =	shalt  }
0x80: {  	_ =	shalt  }
0x81: {  	_ =	shalt  }
0x82: {  	_ =	shalt  }
0x83: {  	_ =	shalt  }
0x84: {  	_ =	shalt  }
0x85: {  	_ =	shalt  }
0x86: {  	_ =	shalt  }
0x87: {  	_ =	shalt  }
.Lfunc_end0:
.L_simem_size_0:
called_computation.2_lowered:
.L_overlay_start_0:
0x88: {  	s2 =	sld [smem:$0x3FD9]  }
0x89: {  	s3 =	sld [smem:$0x3FFE];
	_ =	sdelay $0x1  }
0x8a: {  	s1 =	srdreg.scid  }
0x8b: {  	s0 =	sand.u32 $0x1, s1  }
0x8c: {  	s17 =	sshll.u32 s0, $0xA;
	s2 =	sadd.s32 s3, s2  }
0x8d: {  	s2 =	sadd.s32 s2, s17  }
0x8e: {  	[smem:$0x3FC2] =	sst s2  }
0x8f: {  	_ = 	snop  }
0x90: {  	s2 =	sld [smem:$0x3FD0];
	(tm) =	ssettm $0x1  }
0x91: {  	s18 =	sld [smem:$0x3FFB];
	_ =	sdelay $0x3  }
0x92: {  	_ =	strace s18  }
0x93: {  	s3 =	sld [smem:$0x3FFC];
	_ =	sdelay $0x3  }
0x94: {  	_ =	strace s3  }
0x95: {  	s3 =	sld [smem:$0x3FFD];
	_ =	sdelay $0x3  }
0x96: {  	_ =	strace s3  }
0x97: {  	_ =	strace $0x8FFFFFFF  }
0x98: {  	s19 =	sld [smem:$0x3FDB];
	_ =	sdelay $0x1  }
0x99: {  	s4 =	simm.s32 $_scs_section_size  }
0x9a: {  	s5 =	simm.s32 $_size__tile_overlayer_lowered;
	s6 =	simm.s32 $_tile_overlayer_lowered  }
0x9b: {  	s22 =	simm.s32 $0x1BFF;
	s21 =	sshll.u32 s6, $0x1;
	s3 =	sadd.s32 s4, s19  }
0x9c: {  	s7 =	simm.s32 $0x0;
	s20 =	sshll.u32 s5, $0x1;
	s5 =	sadd.s32 s21, s3  }
0x9d: {  	[timem:s7], [sflag:s22] =	dma.local [hbm:s5], s20  }
0x9e: {  	_ =	swait.ge [sflag:s22], s20  }
0x9f: {  	s4 =	ssub.s32 $0x0, s20;
	[sflag:s22] =	ssyncset.done $0x0  }
0xa0: {  	[sflag:s22] =	ssyncadd.s32 s4;
	_ =	sdelay $0x1  }
0xa1: {  	s23 =	simm.s32 $0x1B8B  }
0xa2: {  	_ =	swait.ge [sflag:s23], $0x1  }
0xa3: {  	[sflag:s23] =	ssyncset.done $0x0  }
0xa4: {  	s25 =	simm.s32 $0x1B8E;
	s24 =	sld [smem:$0x3FFE];
	[sflag:s23] =	ssyncadd.s32 $0xFFFFFFFF  }
0xa5: {  	s26 =	simm.s32 $execute0_lowered;
	[smem:$0x3FD2] =	sst s25  }
0xa6: {  	s5 =	sshll.u32 s26, $0x1;
	_ =	strace $0x8000004C;
	[dreg:$0x1] =	wrdreg $0xFFFFFFFF  }
0xa7: {  	s28 =	simm.s32 $_size_execute0_lowered;
	s3 =	sadd.s32 s3, s5;
	[dreg:$0x0] =	wrdreg $0x0  }
0xa8: {  	s5 =	sshll.u32 s28, $0x1;
	[dreg:$0x2] =	wrdreg s3  }
0xa9: {  	[dreg:$0x3] =	wrdreg s5  }
0xaa: {  	[dreg:$0x4] =	wrdreg $0xC0  }
0xab: {  	_ =	task [dreg:s7], $0x5FFFF  }
0xac: {  	[dreg:$0x1] =	wrdreg $0xFFFFFFFF  }
0xad: {  	[dreg:$0x0] =	wrdreg $0x60  }
0xae: {  	[dreg:$0x2] =	wrdreg s2  }
0xaf: {  	[dreg:$0x3] =	wrdreg s24  }
0xb0: {  	[dreg:$0x4] =	wrdreg $0x29000  }
0xb1: {  	[dreg:$0x5] =	wrdreg $0x9  }
0xb2: {  	_ =	task.clear_ibuf [dreg:s7], $0x6FFFF;
	_ =	strace $0x9000004C  }
0xb3: {  	s29 =	simm.s32 $0x9;
	_ =	strace $0x8000004E  }
0xb4: {  	_ =	swait.ge [sflag:s29], $0x1  }
0xb5: {  	[sflag:s29] =	ssyncadd.s32 $0xFFFFFFFF  }
0xb6: {  	_ =	strace $0x9000004E  }
0xb7: {  	_ =	sfence  }
0xb8: {  	s30 =	sld [smem:$0x0];
	_ =	sdelay $0x2  }
0xb9: {  	s31 =	sshll.u32 s1, $0xD;
	s1 =	sshrl.u32 s1, $0x2  }
0xba: {  	s3 =	sand.u32 $0x4000, s31;
	s1 =	sadd.s32 s1, s30  }
0xbb: {  	s0 =	sor.u32 s3, s0;
	s1 =	sshll.u32 s1, $0x11  }
0xbc: {  	s0 =	sor.u32 s1, s0  }
0xbd: {  	s0 =	sadd.s32 $0x8F2B, s0  }
0xbe: {  	[sflag:s0] =	ssyncadd.remote.s32 $0x1  }
0xbf: {  	_ =	sfence.sel $0xFFFF  }
0xc0: {  	[dreg:$0x0] =	wrdreg $0xFFFFFFFF;
	(pc) =	sbr.abs _section_cstart, $3  }
0xc1: {  	[dreg:$0x1] =	wrdreg $0xFFFFFFFF  }
0xc2: {  	_ =	task.clear_ibuf [dreg:s7], $0x2FFFF;
	_ =	strace $0x9FFFFFFF  }
0xc3: {  	(tm) =	ssettm $0x7FFFFFFF  }
tec
execute0_lowered:
.L_overlay_start_1:
0x0: {  	(tag) =	ssettag $0x1  }
0x1: {  	s0 =	rddreg [dreg:$0x0]  }
0x2: {  	s1 =	srdreg.scid;
	s4 =	rddreg [dreg:$0x1]  }
0x3: {  	s9 =	stileid.u32;
	s2 =	rddreg [dreg:$0x2];
	s3 =	simm.s32 $0x0  }
0x4: {  	s13 =	simm.s32 $0x80;
	s14 =	simm.s32 $0x50;
	s15 =	simm.s32 $0x100  }
0x5: {  	s16 =	simm.s32 $0x1;
	s17 =	simm.s32 $0x0;
	s7 =	smul.u32 $0x2710, s9  }
0x6: {  	s6 =	sand.u32 $0x1, s1;
	s1 =	rddreg [dreg:$0x3];
	s31 =	smul.u32 $0x50000, s9  }
0x7: {  	[smem:$0x7FF] =	sst s3;
	p0 =	seq.s32 s9, $0xF;
	s5 =	smul.u32 $0x27100, s6  }
0x8: {  	s12 =	smul.u32 $0x14000, s9;
	_ =	strace $0x8000004D;
	s29 =	ssub.s32 $0x2, s6  }
0x9: {  	s11 =	smul.u32 $0x138800, s6;
	s10 =	sshrl.u32 s29, $0x1;
	s5 =	sadd.s32 s7, s5  }
0xa: {  	s30 =	ssub.s32 s29, s10;
	s10 =	sshrl.u32 s31, $0x2;
	s5 =	sshrl.u32 s5, $0x3  }
0xb: {  	s6 =	smax.u32 s30, $0x1;
	s8 =	sadd.s32 s5, s4;
	s5 =	simm.s32 $0x5  }
0xc: {  	s10 =	sadd.s32 s10, s2;
	s4 =	sadd.s32 $0x64600, s4;
	s5 =	simm.s32 @!p0 $0x8  }
0xd: {  	s7 =	sadd.s32 $0xC000, s8;
	s8 =	sadd.s32 $0x2200, s8;
	p0 =	sne.s32 s9, $0x0  }
0xe: {  	s9 =	sadd.s32 s12, s11;
	s12 =	simm.s32 $0x2;
	s11 =	sshrl.u32 @!p0 s2, $0x3  }
.LBB2_1:
0xf: {  	s18 =	simm.s32 @!p0 $0x1C02  }
0x10: {  	[spmem:s11], [sflag:s18] =	dma.local @!p0 [hbm:s0], $0x27100  }
0x11: {  	s18 =	simm.s32 @!p0 $0x2  }
0x12: {  	_ =	swait.ge @!p0 [sflag:s18], $0x27100  }
0x13: {  	[sflag:s18] =	ssyncset.done @!p0 $0x0  }
0x14: {  	[sflag:s18] =	ssyncadd.s32 @!p0 $0xFFFD8F00  }
0x15: {  	s30 =	sadd.s32 $0x0, s8;
	[bflag:$0x0] =	sbarrier.arrive $0xFFFF  }
0x16: {  	[tilespmem:s3], [sflag:$0x2] =	stream.linear.gather [hbm4b:s30+s3], $0x50, $0x38;
	[tilespmem:$0x16180] =	vst v63  }
0x17: {  	_ =	swait.ge [sflag:s12], $0x50  }
0x18: {  	[sflag:s12] =	ssyncset.done $0x0  }
0x19: {  	s31 =	sadd.s32 $0x0, s7;
	[sflag:s12] =	ssyncadd.s32 $0xFFFFFFB0  }
0x1a: {  	[tilespmem:s13], [sflag:$0x2] =	stream.linear.gather [hbm4b:s31+s3], $0x50, $0x38;
	[tilespmem:$0x16180] =	vst v63  }
0x1b: {  	_ =	swait.ge [sflag:s12], $0x50  }
0x1c: {  	[sflag:s12] =	ssyncset.done $0x0  }
0x1d: {  	[sflag:s12] =	ssyncadd.s32 $0xFFFFFFB0  }
0x1e: {  	[tilespmem:s15], [sflag:$0x1] =	stream.indirect.gather [hbm4b:s0+s14], $0x80, s3, s14, $0xb8;
	[tilespmem:$0x16180] =	vst v63  }
0x1f: {  	_ =	swait.ge [sflag:s16], $0x2800  }
0x20: {  	[sflag:s16] =	ssyncset.done $0x0  }
0x21: {  	[sflag:s16] =	ssyncadd.s32 $0xFFFFD800  }
0x22: {  	[spmem:s2] =	stream.indirect.scatter.add.f32 [tilespmem:s15], [sflag:$0x2], $0x80, s13, s14, $0xb8;
	[tilespmem:$0x16180] =	vst v63  }
0x23: {  	_ =	swait.ge [sflag:s12], $0x2800  }
0x24: {  	s19 =	simm.s32 $0x14;
	s18 =	simm.s32 $0xA;
	[sflag:s12] =	ssyncset.done $0x0  }
.LBB2_2:
0x25: {  	s20 =	sadd.s32 s18, s8  }
0x26: {  	[sflag:s12] =	ssyncadd.s32 $0xFFFFD800;
	s21 =	smov.u32 s19;
	s22 =	sadd.s32 $0xA, s19  }
0x27: {  	[tilespmem:s3], [sflag:$0x2] =	stream.linear.gather [hbm4b:s20+s3], $0x50, $0x38;
	[tilespmem:$0x16180] =	vst v63  }
0x28: {  	p1 =	sne.s32 s19, $0x4D8;
	_ =	swait.ge [sflag:s12], $0x50  }
0x29: {  	[sflag:s12] =	ssyncset.done $0x0  }
0x2a: {  	s19 =	sadd.s32 s18, s7;
	s18 =	smov.u32 s21;
	[sflag:s12] =	ssyncadd.s32 $0xFFFFFFB0  }
0x2b: {  	[tilespmem:s13], [sflag:$0x2] =	stream.linear.gather [hbm4b:s19+s3], $0x50, $0x38;
	[tilespmem:$0x16180] =	vst v63  }
0x2c: {  	_ =	swait.ge [sflag:s12], $0x50  }
0x2d: {  	[sflag:s12] =	ssyncset.done $0x0  }
0x2e: {  	[sflag:s12] =	ssyncadd.s32 $0xFFFFFFB0  }
0x2f: {  	[tilespmem:s15], [sflag:$0x1] =	stream.indirect.gather [hbm4b:s0+s14], $0x80, s3, s14, $0xb8;
	[tilespmem:$0x16180] =	vst v63  }
0x30: {  	_ =	swait.ge [sflag:s16], $0x2800  }
.Ltmp0:
0x31: {  	[sflag:s16] =	ssyncset.done $0x0;
	(pc) =	sbr.rel @p1 .LBB2_2-.Ltmp0, $4  }
0x32: {  	[sflag:s16] =	ssyncadd.s32 $0xFFFFD800  }
0x33: {  	[spmem:s2] =	stream.indirect.scatter.add.f32 [tilespmem:s15], [sflag:$0x2], $0x80, s13, s14, $0xb8;
	[tilespmem:$0x16180] =	vst v63  }
0x34: {  	_ =	swait.ge [sflag:s12], $0x2800  }
0x35: {  	s19 =	smov.u32 s22;
	[sflag:s12] =	ssyncset.done $0x0  }
0x36: {  	s19 =	sadd.s32 s18, s8;
	[sflag:s12] =	ssyncadd.s32 $0xFFFFD800  }
0x37: {  	[tilespmem:s3], [sflag:$0x2] =	stream.linear.gather [hbm4b:s19+s3], $0x50, $0x38;
	[tilespmem:$0x16180] =	vst v63  }
0x38: {  	_ =	swait.ge [sflag:s12], $0x50  }
0x39: {  	[sflag:s12] =	ssyncset.done $0x0  }
0x3a: {  	s30 =	sadd.s32 s18, s7;
	[sflag:s12] =	ssyncadd.s32 $0xFFFFFFB0  }
0x3b: {  	[tilespmem:s13], [sflag:$0x2] =	stream.linear.gather [hbm4b:s30+s3], $0x50, $0x38;
	[tilespmem:$0x16180] =	vst v63  }
0x3c: {  	_ =	swait.ge [sflag:s12], $0x50  }
0x3d: {  	[sflag:s12] =	ssyncset.done $0x0  }
0x3e: {  	[sflag:s12] =	ssyncadd.s32 $0xFFFFFFB0  }
0x3f: {  	[tilespmem:s15], [sflag:$0x1] =	stream.indirect.gather [hbm4b:s0+s14], $0x80, s3, s14, $0xb8;
	[tilespmem:$0x16180] =	vst v63  }
0x40: {  	_ =	swait.ge [sflag:s16], $0x2800  }
0x41: {  	[sflag:s16] =	ssyncset.done $0x0  }
0x42: {  	[sflag:s16] =	ssyncadd.s32 $0xFFFFD800  }
0x43: {  	[spmem:s2] =	stream.indirect.scatter.add.f32 [tilespmem:s15], [sflag:$0x2], $0x80, s13, s14, $0xb8;
	[tilespmem:$0x16180] =	vst v63  }
0x44: {  	_ =	swait.ge [sflag:s12], $0x2800  }
0x45: {  	[sflag:s12] =	ssyncset.done $0x0  }
0x46: {  	[sflag:s12] =	ssyncadd.s32 $0xFFFFD800  }
0x47: {  	[bflag:$0x0] =	sbarrier.arrive $0xFFFF  }
0x48: {  	[tilespmem:s15], [sflag:$0x2] =	stream.linear.gather [spmem:s10], $0x2800, $0x38;
	[tilespmem:$0x16180] =	vst v63  }
0x49: {  	p1 =	sne.s32 s5, $0x1;
	_ =	swait.ge [sflag:s12], $0x2800  }
.Ltmp1:
0x4a: {  	s31 =	sshrl.u32 s9, $0x3;
	[sflag:s12] =	ssyncset.done $0x0;
	(pc) =	sbr.rel @!p1 .LBB2_5-.Ltmp1, $4  }
0x4b: {  	s18 =	sadd.s32 s4, s31;
	[sflag:s12] =	ssyncadd.s32 $0xFFFFD800  }
0x4c: {  	[hbm4b:s18+s3] =	stream.linear.scatter [tilespmem:s15], [sflag:$0x2], $0x2800, $0x38;
	[tilespmem:$0x16180] =	vst v63  }
0x4d: {  	s20 =	smov.u32 s10;
	_ =	swait.ge [sflag:s12], $0x2800  }
0x4e: {  	s19 =	smov.u32 s9;
	s18 =	sadd.s32 $0xFFFFFFFF, s5;
	[sflag:s12] =	ssyncset.done $0x0  }
.LBB2_4:
0x4f: {  	[sflag:s12] =	ssyncadd.s32 $0xFFFFD800;
	s19 =	sadd.s32 $0x2800, s19;
	s20 =	sadd.s32 $0x2800, s20  }
0x50: {  	[tilespmem:s15], [sflag:$0x2] =	stream.linear.gather [spmem:s20], $0x2800, $0x38;
	[tilespmem:$0x16180] =	vst v63  }
0x51: {  	p1 =	sne.s32 s18, $0x1;
	s18 =	sadd.s32 $0xFFFFFFFF, s18;
	_ =	swait.ge [sflag:s12], $0x2800  }
.Ltmp2:
0x52: {  	s21 =	sshrl.u32 s19, $0x3;
	[sflag:s12] =	ssyncset.done $0x0;
	(pc) =	sbr.rel @p1 .LBB2_4-.Ltmp2, $4  }
0x53: {  	s21 =	sadd.s32 s4, s21;
	[sflag:s12] =	ssyncadd.s32 $0xFFFFD800  }
0x54: {  	[hbm4b:s21+s3] =	stream.linear.scatter [tilespmem:s15], [sflag:$0x2], $0x2800, $0x38;
	[tilespmem:$0x16180] =	vst v63  }
0x55: {  	_ =	swait.ge [sflag:s12], $0x2800  }
0x56: {  	[sflag:s12] =	ssyncset.done $0x0  }
.LBB2_5:
0x57: {  	s17 =	sadd.s32 $0x1, s17  }
0x58: {  	p1 =	sne.s32 s17, s6  }
.Ltmp3:
0x59: {  	_ = 	snop;
	(pc) =	sbr.rel @p1 .LBB2_1-.Ltmp3, $2  }
0x5a: {  	_ =	sdelay $0x2  }
0x5b: {  	[sflag:s12] =	ssyncadd.s32 $0xFFFFD800  }
0x5c: {  	_ =	sfence.sel $0x180000  }
0x5d: {  	[bflag:$0x0] =	sbarrier.arrive $0xFFFF  }
0x5e: {  	_ =	strace $0x9000004D  }
0x5f: {  	s0 =	sadd.s32 @!p0 $0x100000, s1;
	[bflag:$0x2] =	sbarrier.arrive $0xFFFF  }
0x60: {  	[sflag:s0] =	ssyncadd.tile.s32 @!p0 $0x1;
	_ =	shalt  }
.Lfunc_end2:
_tile_overlayer_lowered:
.L_overlay_start_2:
0x61: {  	(tag) =	ssettag $0x2  }
0x62: {  	s0 =	rddreg [dreg:$0x0];
	s2 =	stileid.u32  }
0x63: {  	s1 =	rddreg [dreg:$0x1];
	p0 =	sne.s32 s2, $0x0  }
0x64: {  	s3 =	rddreg [dreg:$0x2];
	[bflag:$0x3] =	sbarrier.arrive $0xFFFF;
	s2 =	simm.s32 @!p0 $0x1C02  }
0x65: {  	[timem:s3], [sflag:s2] =	dma.local @!p0 [hbm:s0], s1  }
0x66: {  	s0 =	simm.s32 @!p0 $0x2  }
0x67: {  	_ =	swait.ge @!p0 [sflag:s0], s1  }
0x68: {  	s1 =	ssub.s32 @!p0 $0x0, s1;
	[sflag:s0] =	ssyncset.done @!p0 $0x0  }
0x69: {  	[sflag:s0] =	ssyncadd.s32 @!p0 s1  }
0x6a: {  	[bflag:$0x3] =	sbarrier.arrive $0xFFFF  }
0x6b: {  	_ =	shalt  }

// kernel: kernel.8.cloned.1.call-start
scs
__scs_entry_jumppad:
0x0: {  	(pc) =	sbr.rel $0x88, $3  }
0x1: {  	(tag) =	ssettag $0x0;
	lr =	simm.s32 $0x1  }
0x2: {  	[smem:$0x3F9B] =	sst lr;
	_ =	strace $0xD0000000  }
0x3: {  	_ = 	snop  }
0x4: {  	_ = 	snop  }
0x5: {  	_ = 	snop  }
0x6: {  	_ = 	snop  }
0x7: {  	_ = 	snop  }
__scs_overlays_trampoline_lowered:
0x8: {  	[smem:$0x3FAA] =	sst s0  }
0x9: {  	[smem:$0x3FAB] =	sst s1  }
0xa: {  	[smem:$0x3FAC] =	sst s2  }
0xb: {  	[smem:$0x3FAD] =	sst s3  }
0xc: {  	[smem:$0x3FAE] =	sst s4  }
0xd: {  	[smem:$0x3FAF] =	sst s5  }
0xe: {  	[smem:$0x3FB0] =	sst s6  }
0xf: {  	[smem:$0x3FB1] =	sst s7  }
0x10: {  	[smem:$0x3FB2] =	sst s8  }
0x11: {  	[smem:$0x3FB3] =	sst s9;
	s0 =	simm.s32 @!p0 $0x0  }
0x12: {  	s1 =	sld [smem:$0x3F99];
	s0 =	simm.s32 @p0 $0x1  }
0x13: {  	[smem:$0x3FB4] =	sst s0;
	s0 =	simm.s32 @!p1 $0x0  }
0x14: {  	s2 =	sld [smem:$0x3F98];
	s0 =	simm.s32 @p1 $0x1  }
0x15: {  	[smem:$0x3FB5] =	sst s0;
	s0 =	simm.s32 @!p2 $0x0  }
0x16: {  	s3 =	sld [smem:$0x3FDB];
	s0 =	simm.s32 @p2 $0x1  }
0x17: {  	s4 =	simm.s32 $0x1BF5;
	[smem:$0x3FB7] =	sst s0  }
0x18: {  	s0 =	sld [smem:$0x3F9A];
	_ =	swait.ge [sflag:s4], $0x0  }
0x19: {  	s7 =	sld [smem:$0x3F9B]  }
0x1a: {  	s8 =	sadd.s32 $0xFFFFE003, lr  }
0x1b: {  	s9 =	sadd.s32 $0xFFFFFEF7, lr;
	s5 =	simm.s32 $0xFFFFFFFF;
	p2 =	slt.u32 s8, $0xFFFFF086  }
0x1c: {  	p1 =	slt.u32 s9, $0xF7A;
	s5 =	simm.s32 @!p2 $0x0  }
0x1d: {  	s5 =	simm.s32 @p1 $0x1;
	p0 =	seq.s32 s7, s2  }
0x1e: {  	s7 =	smul.u32 @!p0 $0xF7A, s2;
	p2 =	seq.s32 @!p0 s5, $0x0  }
0x1f: {  	s9 =	smul.u32 $0xF7A, s1;
	s8 =	simm.s32 @!p0 $0x1BF5;
	p2 =	por !p2, p0  }
0x20: {  	[sflag:s8] =	ssyncset.s32 @!p0 $0xFFFFF086;
	s6 =	sadd.s32 @!p0 s3, s7;
	s7 =	simm.s32 @!p0 $0x108  }
0x21: {  	s3 =	sadd.s32 s3, s9;
	s6 =	sadd.s32 @!p0 $0x88, s6;
	s7 =	simm.s32 @p2 $0x1082  }
0x22: {  	[simem:s7], [sflag:s8] =	dma.local @!p0 [hbm:s6], $0xF7A  }
0x23: {  	s9 =	sor.u32 $0xD0000000, s2;
	s6 =	simm.s32 $0x108;
	_ =	swait.ge @!p0 [sflag:s8], $0x0  }
0x24: {  	s3 =	sadd.s32 $0x88, s3;
	s6 =	simm.s32 @!p1 $0x1082;
	[sflag:s4] =	ssyncset.s32 $0xFFFFF086  }
0x25: {  	[simem:s6], [sflag:s4] =	dma.local [hbm:s3], $0xF7A  }
0x26: {  	[smem:$0x3F9B] =	sst s1;
	(tag) =	ssettag s2;
	_ =	strace s9  }
0x27: {  	s1 =	sld [smem:$0x3FAB]  }
0x28: {  	s2 =	sld [smem:$0x3FAC]  }
0x29: {  	s4 =	sld [smem:$0x3FAE]  }
0x2a: {  	p0 =	seq.s32 s5, $0x0;
	s5 =	sld [smem:$0x3FAF]  }
0x2b: {  	s6 =	sld [smem:$0x3FB0]  }
0x2c: {  	s7 =	sld [smem:$0x3FB1]  }
0x2d: {  	s3 =	simm.s32 $0x108;
	s8 =	sld [smem:$0x3FB2]  }
0x2e: {  	s3 =	simm.s32 @!p0 $0x1082;
	s9 =	sld [smem:$0x3FB3]  }
0x2f: {  	lr =	sadd.s32 s0, s3;
	s0 =	sld [smem:$0x3FAA]  }
0x30: {  	s3 =	sld [smem:$0x3FAD]  }
0x31: {  	[smem:$0x3FB6] =	sst s10  }
0x32: {  	s10 =	sld [smem:$0x3FB4];
	_ =	sdelay $0x3  }
0x33: {  	p0 =	seq.s32 s10, $0x1;
	s10 =	sld [smem:$0x3FB6];
	_ =	sdelay $0x3  }
0x34: {  	[smem:$0x3FB6] =	sst s10  }
0x35: {  	s10 =	sld [smem:$0x3FB5];
	_ =	sdelay $0x3  }
0x36: {  	p1 =	seq.s32 s10, $0x1;
	s10 =	sld [smem:$0x3FB6];
	_ =	sdelay $0x3  }
0x37: {  	[smem:$0x3FB6] =	sst s10  }
0x38: {  	s10 =	sld [smem:$0x3FB7]  }
0x39: {  	_ = 	snop;
	(pc) =	sbr.ind lr, $3  }
0x3a: {  	_ = 	snop  }
0x3b: {  	_ = 	snop  }
0x3c: {  	p2 =	seq.s32 s10, $0x1;
	s10 =	sld [smem:$0x3FB6]  }
0x3d: {  	_ =	shalt  }
0x3e: {  	_ =	shalt  }
0x3f: {  	_ =	shalt  }
0x40: {  	_ =	shalt  }
0x41: {  	_ =	shalt  }
0x42: {  	_ =	shalt  }
0x43: {  	_ =	shalt  }
0x44: {  	_ =	shalt  }
0x45: {  	_ =	shalt  }
0x46: {  	_ =	shalt  }
0x47: {  	_ =	shalt  }
0x48: {  	_ =	shalt  }
0x49: {  	_ =	shalt  }
0x4a: {  	_ =	shalt  }
0x4b: {  	_ =	shalt  }
0x4c: {  	_ =	shalt  }
0x4d: {  	_ =	shalt  }
0x4e: {  	_ =	shalt  }
0x4f: {  	_ =	shalt  }
0x50: {  	_ =	shalt  }
0x51: {  	_ =	shalt  }
0x52: {  	_ =	shalt  }
0x53: {  	_ =	shalt  }
0x54: {  	_ =	shalt  }
0x55: {  	_ =	shalt  }
0x56: {  	_ =	shalt  }
0x57: {  	_ =	shalt  }
0x58: {  	_ =	shalt  }
0x59: {  	_ =	shalt  }
0x5a: {  	_ =	shalt  }
0x5b: {  	_ =	shalt  }
0x5c: {  	_ =	shalt  }
0x5d: {  	_ =	shalt  }
0x5e: {  	_ =	shalt  }
0x5f: {  	_ =	shalt  }
0x60: {  	_ =	shalt  }
0x61: {  	_ =	shalt  }
0x62: {  	_ =	shalt  }
0x63: {  	_ =	shalt  }
0x64: {  	_ =	shalt  }
0x65: {  	_ =	shalt  }
0x66: {  	_ =	shalt  }
0x67: {  	_ =	shalt  }
0x68: {  	_ =	shalt  }
0x69: {  	_ =	shalt  }
0x6a: {  	_ =	shalt  }
0x6b: {  	_ =	shalt  }
0x6c: {  	_ =	shalt  }
0x6d: {  	_ =	shalt  }
0x6e: {  	_ =	shalt  }
0x6f: {  	_ =	shalt  }
0x70: {  	_ =	shalt  }
0x71: {  	_ =	shalt  }
0x72: {  	_ =	shalt  }
0x73: {  	_ =	shalt  }
0x74: {  	_ =	shalt  }
0x75: {  	_ =	shalt  }
0x76: {  	_ =	shalt  }
0x77: {  	_ =	shalt  }
0x78: {  	_ =	shalt  }
0x79: {  	_ =	shalt  }
0x7a: {  	_ =	shalt  }
0x7b: {  	_ =	shalt  }
0x7c: {  	_ =	shalt  }
0x7d: {  	_ =	shalt  }
0x7e: {  	_ =	shalt  }
0x7f: {  	_ =	shalt  }
0x80: {  	_ =	shalt  }
0x81: {  	_ =	shalt  }
0x82: {  	_ =	shalt  }
0x83: {  	_ =	shalt  }
0x84: {  	_ =	shalt  }
0x85: {  	_ =	shalt  }
0x86: {  	_ =	shalt  }
0x87: {  	_ =	shalt  }
.Lfunc_end0:
.L_simem_size_0:
called_computation_lowered:
.L_overlay_start_0:
0x88: {  	s2 =	sld [smem:$0x3FD9]  }
0x89: {  	s3 =	sld [smem:$0x3FFE];
	_ =	sdelay $0x1  }
0x8a: {  	s1 =	srdreg.scid  }
0x8b: {  	s0 =	sand.u32 $0x1, s1  }
0x8c: {  	s17 =	sshll.u32 s0, $0xA;
	s2 =	sadd.s32 s3, s2  }
0x8d: {  	s2 =	sadd.s32 s2, s17  }
0x8e: {  	[smem:$0x3FC2] =	sst s2  }
0x8f: {  	_ = 	snop  }
0x90: {  	s2 =	sld [smem:$0x3FD0];
	(tm) =	ssettm $0x1  }
0x91: {  	s18 =	sld [smem:$0x3FFB];
	_ =	sdelay $0x3  }
0x92: {  	_ =	strace s18  }
0x93: {  	s3 =	sld [smem:$0x3FFC];
	_ =	sdelay $0x3  }
0x94: {  	_ =	strace s3  }
0x95: {  	s3 =	sld [smem:$0x3FFD];
	_ =	sdelay $0x3  }
0x96: {  	_ =	strace s3  }
0x97: {  	_ =	strace $0x8FFFFFFF  }
0x98: {  	s19 =	sld [smem:$0x3FDB];
	_ =	sdelay $0x1  }
0x99: {  	s4 =	simm.s32 $_scs_section_size  }
0x9a: {  	s5 =	simm.s32 $_size__tile_overlayer_lowered;
	s6 =	simm.s32 $_tile_overlayer_lowered  }
0x9b: {  	s22 =	simm.s32 $0x1BFF;
	s21 =	sshll.u32 s6, $0x1;
	s3 =	sadd.s32 s4, s19  }
0x9c: {  	s7 =	simm.s32 $0x0;
	s20 =	sshll.u32 s5, $0x1;
	s5 =	sadd.s32 s21, s3  }
0x9d: {  	[timem:s7], [sflag:s22] =	dma.local [hbm:s5], s20  }
0x9e: {  	_ =	swait.ge [sflag:s22], s20  }
0x9f: {  	s4 =	ssub.s32 $0x0, s20;
	[sflag:s22] =	ssyncset.done $0x0  }
0xa0: {  	[sflag:s22] =	ssyncadd.s32 s4;
	_ =	sdelay $0x1  }
0xa1: {  	s23 =	simm.s32 $0x1B8B  }
0xa2: {  	_ =	swait.ge [sflag:s23], $0x1  }
0xa3: {  	[sflag:s23] =	ssyncset.done $0x0  }
0xa4: {  	s25 =	simm.s32 $0x1B8E;
	s24 =	sld [smem:$0x3FFE];
	[sflag:s23] =	ssyncadd.s32 $0xFFFFFFFF  }
0xa5: {  	s26 =	simm.s32 $execute0_lowered;
	[smem:$0x3FD2] =	sst s25  }
0xa6: {  	s5 =	sshll.u32 s26, $0x1;
	_ =	strace $0x80000046;
	[dreg:$0x1] =	wrdreg $0xFFFFFFFF  }
0xa7: {  	s28 =	simm.s32 $_size_execute0_lowered;
	s3 =	sadd.s32 s3, s5;
	[dreg:$0x0] =	wrdreg $0x0  }
0xa8: {  	s5 =	sshll.u32 s28, $0x1;
	[dreg:$0x2] =	wrdreg s3  }
0xa9: {  	[dreg:$0x3] =	wrdreg s5  }
0xaa: {  	[dreg:$0x4] =	wrdreg $0xC0  }
0xab: {  	_ =	task [dreg:s7], $0x5FFFF  }
0xac: {  	[dreg:$0x1] =	wrdreg $0xFFFFFFFF  }
0xad: {  	[dreg:$0x0] =	wrdreg $0x60  }
0xae: {  	[dreg:$0x2] =	wrdreg s2  }
0xaf: {  	[dreg:$0x3] =	wrdreg s24  }
0xb0: {  	[dreg:$0x4] =	wrdreg $0x28800  }
0xb1: {  	[dreg:$0x5] =	wrdreg $0x9  }
0xb2: {  	_ =	task.clear_ibuf [dreg:s7], $0x6FFFF;
	_ =	strace $0x90000046  }
0xb3: {  	s29 =	simm.s32 $0x9;
	_ =	strace $0x80000048  }
0xb4: {  	_ =	swait.ge [sflag:s29], $0x1  }
0xb5: {  	[sflag:s29] =	ssyncadd.s32 $0xFFFFFFFF  }
0xb6: {  	_ =	strace $0x90000048  }
0xb7: {  	_ =	sfence  }
0xb8: {  	s30 =	sld [smem:$0x0];
	_ =	sdelay $0x2  }
0xb9: {  	s31 =	sshll.u32 s1, $0xD;
	s1 =	sshrl.u32 s1, $0x2  }
0xba: {  	s3 =	sand.u32 $0x4000, s31;
	s1 =	sadd.s32 s1, s30  }
0xbb: {  	s0 =	sor.u32 s3, s0;
	s1 =	sshll.u32 s1, $0x11  }
0xbc: {  	s0 =	sor.u32 s1, s0  }
0xbd: {  	s0 =	sadd.s32 $0x8F2B, s0  }
0xbe: {  	[sflag:s0] =	ssyncadd.remote.s32 $0x1  }
0xbf: {  	_ =	sfence.sel $0xFFFF  }
0xc0: {  	[dreg:$0x0] =	wrdreg $0xFFFFFFFF;
	(pc) =	sbr.abs _section_cstart, $3  }
0xc1: {  	[dreg:$0x1] =	wrdreg $0xFFFFFFFF  }
0xc2: {  	_ =	task.clear_ibuf [dreg:s7], $0x2FFFF;
	_ =	strace $0x9FFFFFFF  }
0xc3: {  	(tm) =	ssettm $0x7FFFFFFF  }
tec
execute0_lowered:
.L_overlay_start_1:
0x0: {  	(tag) =	ssettag $0x1  }
0x1: {  	s0 =	rddreg [dreg:$0x0]  }
0x2: {  	s5 =	rddreg [dreg:$0x1]  }
0x3: {  	s1 =	srdreg.scid;
	s10 =	stileid.u32  }
0x4: {  	s2 =	rddreg [dreg:$0x2];
	s3 =	simm.s32 $0x0;
	s7 =	smul.u32 $0x2710, s10  }
0x5: {  	s14 =	simm.s32 $0x50;
	s15 =	simm.s32 $0x0;
	s12 =	smul.u32 $0x14000, s10  }
0x6: {  	s6 =	sand.u32 $0x1, s1;
	s1 =	rddreg [dreg:$0x3];
	s13 =	smul.u32 $0x50000, s10  }
0x7: {  	[smem:$0x7FF] =	sst s3;
	p0 =	seq.s32 s10, $0xF;
	s4 =	smul.u32 $0x27100, s6  }
0x8: {  	s8 =	ssub.s32 $0x2, s6;
	s11 =	smul.u32 $0x138800, s6;
	s6 =	simm.s32 $0x5  }
0x9: {  	_ =	strace $0x80000047;
	s30 =	sshrl.u32 s8, $0x1;
	s6 =	simm.s32 @!p0 $0x8  }
0xa: {  	s31 =	sshrl.u32 s13, $0x2;
	p0 =	sne.s32 s10, $0x0;
	s7 =	sadd.s32 s7, s4  }
0xb: {  	s13 =	simm.s32 $0x1;
	s4 =	sadd.s32 $0x15E00, s5;
	s7 =	sshrl.u32 s7, $0x3  }
0xc: {  	s10 =	sadd.s32 s31, s2;
	s9 =	sadd.s32 s7, s5;
	s7 =	ssub.s32 s8, s30  }
0xd: {  	s5 =	sadd.s32 $0x16400, s5;
	s7 =	smax.u32 s7, $0x1;
	s8 =	sadd.s32 $0xC000, s9  }
0xe: {  	s9 =	sadd.s32 s12, s11;
	s11 =	sshrl.u32 @!p0 s2, $0x3;
	s12 =	simm.s32 $0x80  }
.LBB2_1:
0xf: {  	s16 =	simm.s32 @!p0 $0x1C01  }
0x10: {  	[spmem:s11], [sflag:s16] =	dma.local @!p0 [hbm:s0], $0x27100  }
0x11: {  	s16 =	simm.s32 @!p0 $0x1  }
0x12: {  	_ =	swait.ge @!p0 [sflag:s16], $0x27100  }
0x13: {  	[sflag:s16] =	ssyncset.done @!p0 $0x0  }
0x14: {  	[sflag:s16] =	ssyncadd.s32 @!p0 $0xFFFD8F00  }
0x15: {  	[tilespmem:s12], [sflag:$0x1] =	stream.linear.gather [hbm4b:s4+s3], $0x2800, $0x38;
	[tilespmem:$0x16100] =	vst v63  }
0x16: {  	_ =	swait.ge [sflag:s13], $0x2800  }
0x17: {  	[sflag:s13] =	ssyncset.done $0x0  }
0x18: {  	[sflag:s13] =	ssyncadd.s32 $0xFFFFD800  }
0x19: {  	s31 =	sadd.s32 $0x0, s8;
	[bflag:$0x0] =	sbarrier.arrive $0xFFFF  }
0x1a: {  	[tilespmem:s3], [sflag:$0x1] =	stream.linear.gather [hbm4b:s31+s3], $0x50, $0x38;
	[tilespmem:$0x16100] =	vst v63  }
0x1b: {  	_ =	swait.ge [sflag:s13], $0x50  }
0x1c: {  	[sflag:s13] =	ssyncset.done $0x0  }
0x1d: {  	[sflag:s13] =	ssyncadd.s32 $0xFFFFFFB0  }
0x1e: {  	[spmem:s2] =	stream.indirect.scatter.add.f32 [tilespmem:s12], [sflag:$0x1], $0x80, s3, s14, $0xb8;
	[tilespmem:$0x16100] =	vst v63  }
0x1f: {  	_ =	swait.ge [sflag:s13], $0x2800  }
0x20: {  	s17 =	simm.s32 $0x14;
	s16 =	simm.s32 $0xA;
	[sflag:s13] =	ssyncset.done $0x0  }
.LBB2_2:
0x21: {  	s18 =	sadd.s32 s16, s8  }
0x22: {  	[sflag:s13] =	ssyncadd.s32 $0xFFFFD800;
	s16 =	smov.u32 s17;
	s19 =	sadd.s32 $0xA, s17  }
0x23: {  	[tilespmem:s3], [sflag:$0x1] =	stream.linear.gather [hbm4b:s18+s3], $0x50, $0x38;
	[tilespmem:$0x16100] =	vst v63  }
0x24: {  	p1 =	sne.s32 s17, $0x4D8;
	_ =	swait.ge [sflag:s13], $0x50  }
.Ltmp0:
0x25: {  	[sflag:s13] =	ssyncset.done $0x0;
	(pc) =	sbr.rel @p1 .LBB2_2-.Ltmp0, $4  }
0x26: {  	[sflag:s13] =	ssyncadd.s32 $0xFFFFFFB0  }
0x27: {  	[spmem:s2] =	stream.indirect.scatter.add.f32 [tilespmem:s12], [sflag:$0x1], $0x80, s3, s14, $0xb8;
	[tilespmem:$0x16100] =	vst v63  }
0x28: {  	_ =	swait.ge [sflag:s13], $0x2800  }
0x29: {  	s17 =	smov.u32 s19;
	[sflag:s13] =	ssyncset.done $0x0  }
0x2a: {  	s16 =	sadd.s32 s16, s8;
	[sflag:s13] =	ssyncadd.s32 $0xFFFFD800  }
0x2b: {  	[tilespmem:s3], [sflag:$0x1] =	stream.linear.gather [hbm4b:s16+s3], $0x50, $0x38;
	[tilespmem:$0x16100] =	vst v63  }
0x2c: {  	_ =	swait.ge [sflag:s13], $0x50  }
0x2d: {  	[sflag:s13] =	ssyncset.done $0x0  }
0x2e: {  	[sflag:s13] =	ssyncadd.s32 $0xFFFFFFB0  }
0x2f: {  	[spmem:s2] =	stream.indirect.scatter.add.f32 [tilespmem:s12], [sflag:$0x1], $0x80, s3, s14, $0xb8;
	[tilespmem:$0x16100] =	vst v63  }
0x30: {  	_ =	swait.ge [sflag:s13], $0x2800  }
0x31: {  	[sflag:s13] =	ssyncset.done $0x0  }
0x32: {  	[sflag:s13] =	ssyncadd.s32 $0xFFFFD800  }
0x33: {  	[bflag:$0x0] =	sbarrier.arrive $0xFFFF  }
0x34: {  	[tilespmem:s12], [sflag:$0x1] =	stream.linear.gather [spmem:s10], $0x2800, $0x38;
	[tilespmem:$0x16100] =	vst v63  }
0x35: {  	p1 =	sne.s32 s6, $0x1;
	_ =	swait.ge [sflag:s13], $0x2800  }
.Ltmp1:
0x36: {  	s31 =	sshrl.u32 s9, $0x3;
	[sflag:s13] =	ssyncset.done $0x0;
	(pc) =	sbr.rel @!p1 .LBB2_5-.Ltmp1, $4  }
0x37: {  	s16 =	sadd.s32 s5, s31;
	[sflag:s13] =	ssyncadd.s32 $0xFFFFD800  }
0x38: {  	[hbm4b:s16+s3] =	stream.linear.scatter [tilespmem:s12], [sflag:$0x1], $0x2800, $0x38;
	[tilespmem:$0x16100] =	vst v63  }
0x39: {  	s17 =	smov.u32 s9;
	_ =	swait.ge [sflag:s13], $0x2800  }
0x3a: {  	s18 =	smov.u32 s10;
	s16 =	sadd.s32 $0xFFFFFFFF, s6;
	[sflag:s13] =	ssyncset.done $0x0  }
.LBB2_4:
0x3b: {  	[sflag:s13] =	ssyncadd.s32 $0xFFFFD800;
	s17 =	sadd.s32 $0x2800, s17;
	s18 =	sadd.s32 $0x2800, s18  }
0x3c: {  	[tilespmem:s12], [sflag:$0x1] =	stream.linear.gather [spmem:s18], $0x2800, $0x38;
	[tilespmem:$0x16100] =	vst v63  }
0x3d: {  	p1 =	sne.s32 s16, $0x1;
	s16 =	sadd.s32 $0xFFFFFFFF, s16;
	_ =	swait.ge [sflag:s13], $0x2800  }
.Ltmp2:
0x3e: {  	s19 =	sshrl.u32 s17, $0x3;
	[sflag:s13] =	ssyncset.done $0x0;
	(pc) =	sbr.rel @p1 .LBB2_4-.Ltmp2, $4  }
0x3f: {  	s19 =	sadd.s32 s5, s19;
	[sflag:s13] =	ssyncadd.s32 $0xFFFFD800  }
0x40: {  	[hbm4b:s19+s3] =	stream.linear.scatter [tilespmem:s12], [sflag:$0x1], $0x2800, $0x38;
	[tilespmem:$0x16100] =	vst v63  }
0x41: {  	_ =	swait.ge [sflag:s13], $0x2800  }
0x42: {  	[sflag:s13] =	ssyncset.done $0x0  }
.LBB2_5:
0x43: {  	s15 =	sadd.s32 $0x1, s15  }
0x44: {  	p1 =	sne.s32 s15, s7  }
.Ltmp3:
0x45: {  	_ = 	snop;
	(pc) =	sbr.rel @p1 .LBB2_1-.Ltmp3, $2  }
0x46: {  	_ =	sdelay $0x2  }
0x47: {  	[sflag:s13] =	ssyncadd.s32 $0xFFFFD800  }
0x48: {  	_ =	sfence.sel $0x180000  }
0x49: {  	[bflag:$0x0] =	sbarrier.arrive $0xFFFF  }
0x4a: {  	_ =	strace $0x90000047  }
0x4b: {  	s0 =	sadd.s32 @!p0 $0x100000, s1;
	[bflag:$0x2] =	sbarrier.arrive $0xFFFF  }
0x4c: {  	[sflag:s0] =	ssyncadd.tile.s32 @!p0 $0x1;
	_ =	shalt  }
.Lfunc_end2:
_tile_overlayer_lowered:
.L_overlay_start_2:
0x4d: {  	(tag) =	ssettag $0x2  }
0x4e: {  	s0 =	rddreg [dreg:$0x0];
	s2 =	stileid.u32  }
0x4f: {  	s1 =	rddreg [dreg:$0x1];
	p0 =	sne.s32 s2, $0x0  }
0x50: {  	s3 =	rddreg [dreg:$0x2];
	[bflag:$0x3] =	sbarrier.arrive $0xFFFF;
	s2 =	simm.s32 @!p0 $0x1C01  }
0x51: {  	[timem:s3], [sflag:s2] =	dma.local @!p0 [hbm:s0], s1  }
0x52: {  	s0 =	simm.s32 @!p0 $0x1  }
0x53: {  	_ =	swait.ge @!p0 [sflag:s0], s1  }
0x54: {  	s1 =	ssub.s32 @!p0 $0x0, s1;
	[sflag:s0] =	ssyncset.done @!p0 $0x0  }
0x55: {  	[sflag:s0] =	ssyncadd.s32 @!p0 s1  }
0x56: {  	[bflag:$0x3] =	sbarrier.arrive $0xFFFF  }
0x57: {  	_ =	shalt  }

</sc_bundles>
